<compile_context>
chip_gen: v7x
topology: tpu7x:2x2x1
jax: 0.10.2.dev20260603
libtpu: 0.0.44.dev20260713+nightly
codegen_flags: <defaults>
</compile_context>

<pallas_src>
import functools

import jax
import jax.numpy as jnp
from jax import lax
from jax.experimental import pallas as pl
from jax.experimental.pallas import tpu as pltpu
from jax.experimental.pallas import tpu_sc as plsc

_T0 = 128
_NT = 2


def _emb_lookup(table, t3, ids2, B, L, D, NC, NW, n_ch, LP, K):
    mesh = plsc.VectorSubcoreMesh(core_axis_name="c", subcore_axis_name="s")
    tail0 = _NT * _T0

    @functools.partial(
        pl.kernel,
        mesh=mesh,
        out_type=jax.ShapeDtypeStruct((B, L, D), table.dtype),
        compiler_params=pltpu.CompilerParams(needs_layout_passes=False),
        scratch_types=(
            [pltpu.VMEM((n_ch * LP,), jnp.int32)]
            + [pltpu.VMEM((L, D), table.dtype) for _ in range(K)]
            + [pltpu.VMEM((L, _T0), table.dtype) for _ in range(K)]
            + [pltpu.SemaphoreType.DMA for _ in range(4 * K)]
        ),
    )
    def emb(table_hbm, t3_hbm, ids_hbm, out_hbm, idx_v, *rest):
        bufs = rest[:K]
        tbufs = rest[K : 2 * K]
        gsemA = rest[2 * K : 3 * K]
        gsemB = rest[3 * K : 4 * K]
        gsemC = rest[4 * K : 5 * K]
        osem = rest[5 * K : 6 * K]
        wid = lax.axis_index("s") * NC + lax.axis_index("c")
        base = wid * n_ch
        pltpu.sync_copy(ids_hbm.at[wid], idx_v)

        def start_gathers(c, b):
            idx = idx_v.at[pl.ds(c * LP, L)]
            pltpu.async_copy(
                table_hbm.at[:, pl.ds(0, _T0)].at[idx],
                bufs[b].at[:, pl.ds(0, _T0)],
                gsemA[b],
            )
            pltpu.async_copy(
                table_hbm.at[:, pl.ds(_T0, _T0)].at[idx],
                bufs[b].at[:, pl.ds(_T0, _T0)],
                gsemB[b],
            )
            pltpu.async_copy(t3_hbm.at[idx], tbufs[b], gsemC[b])

        def wait_gathers(c, b):
            idx = idx_v.at[pl.ds(c * LP, L)]
            pltpu.make_async_copy(
                table_hbm.at[:, pl.ds(0, _T0)].at[idx],
                bufs[b].at[:, pl.ds(0, _T0)],
                gsemA[b],
            ).wait()
            pltpu.make_async_copy(
                table_hbm.at[:, pl.ds(_T0, _T0)].at[idx],
                bufs[b].at[:, pl.ds(_T0, _T0)],
                gsemB[b],
            ).wait()
            pltpu.make_async_copy(t3_hbm.at[idx], tbufs[b], gsemC[b]).wait()

        for b in range(K - 1):
            start_gathers(b, b)

        @pl.loop(0, n_ch // K)
        def _outer(g):
            c0 = g * K
            for b in range(K):
                c = c0 + b
                wait_gathers(c, b)

                @pl.loop(0, L)
                def _row(r):
                    buf = bufs[b]
                    tb = tbufs[b]
                    buf[r, pl.ds(tail0, 16)] = tb[r, pl.ds(0, 16)]
                    buf[r, pl.ds(tail0 + 16, 16)] = tb[r, pl.ds(16, 16)]
                    v = tb[r, pl.ds(32, 16)]
                    cols = lax.iota(jnp.int32, 16) + (tail0 + 32)
                    rows = jnp.full((16,), r, jnp.int32)
                    plsc.store_scatter(
                        bufs[b], [rows, cols], v, mask=cols < D
                    )

                pltpu.async_copy(bufs[b], out_hbm.at[base + c], osem[b])
                nb = (b + K - 1) % K
                nxt = c + K - 1

                @pl.when(nxt < n_ch)
                def _():
                    @pl.when(c >= 1)
                    def _():
                        pltpu.make_async_copy(
                            bufs[nb], out_hbm.at[base + c - 1], osem[nb]
                        ).wait()

                    start_gathers(nxt, nb)

        for b in range(K):
            pltpu.make_async_copy(
                bufs[b], out_hbm.at[base + n_ch - K + b], osem[b]
            ).wait()

    return emb(table, t3, ids2)


def kernel(table, _input_token_ids):
    V, D = table.shape
    Bt, Lt = _input_token_ids.shape
    info = plsc.get_sparse_core_info()
    NC = info.num_cores
    NW = NC * info.num_subcores
    K = 4
    LP = 56
    assert Bt % NW == 0
    n_ch = Bt // NW
    assert n_ch % K == 0
    t3 = jnp.concatenate(
        [
            table[:, _NT * _T0 :],
            jnp.zeros((V, (_NT + 1) * _T0 - D), table.dtype),
        ],
        axis=1,
    )
    ids2 = jnp.pad(_input_token_ids, ((0, 0), (0, LP - Lt))).reshape(
        NW, n_ch * LP
    )
    return _emb_lookup(table, t3, ids2, Bt, Lt, D, NC, NW, n_ch, LP, K)

# --- scband reference (transcript-rebuilt; emitter-appended) ---
"""Pipeline reference for scband-pretrained-word-embedding-52501680226598 (READ-ONLY COPY).

The authoritative reference and input builder live on the scoring server;
editing this copy changes nothing except your own understanding.
"""

import jax, jax.numpy as jnp
import numpy as np

VOCAB = 100000
DIM = 300
B = 4096
L = 50

def setup_inputs(seed: int = 0) -> dict:
    key = jax.random.key(seed)
    k1, k2 = jax.random.split(key)
    # Learned/pretrained embedding table (stands in for the np.load'ed file)
    table = jax.random.normal(k1, (VOCAB, DIM), dtype=jnp.float32) * 0.02
    input_token_ids = jax.random.randint(k2, (B, L), 0, VOCAB, dtype=jnp.int32)
    return {"table": table, "_input_token_ids": input_token_ids}

def reference(table, _input_token_ids):
    # PretrainedWordEmbedding.forward with default aggregation_level='word'
    # and no _input_token_ids_mask: a plain embedding lookup.
    input_embedding = jnp.take(table, _input_token_ids, axis=0)
    return input_embedding

if __name__ == "__main__":
    import jax
    _d = setup_inputs()
    print(jax.jit(kernel)(*tuple(_d.values())))

</pallas_src>

<mosaic_0001>
#map = affine_map<(d0, d1) -> (0, 0)>
#map1 = affine_map<(d0, d1) -> (0, 0, 0)>
module attributes {stable_mosaic.version = 14 : i64} {
  func.func @emb(%arg0: i32, %arg1: i32, %arg2: memref<100000x300xf32, #tpu.memory_space<hbm>>, %arg3: memref<100000x128xf32, #tpu.memory_space<hbm>>, %arg4: memref<32x7168xi32, #tpu.memory_space<hbm>>, %arg5: memref<4096x50x300xf32, #tpu.memory_space<hbm>>, %arg6: memref<7168xi32, #tpu.memory_space<vmem>>, %arg7: memref<50x300xf32, #tpu.memory_space<vmem>>, %arg8: memref<50x300xf32, #tpu.memory_space<vmem>>, %arg9: memref<50x300xf32, #tpu.memory_space<vmem>>, %arg10: memref<50x300xf32, #tpu.memory_space<vmem>>, %arg11: memref<50x128xf32, #tpu.memory_space<vmem>>, %arg12: memref<50x128xf32, #tpu.memory_space<vmem>>, %arg13: memref<50x128xf32, #tpu.memory_space<vmem>>, %arg14: memref<50x128xf32, #tpu.memory_space<vmem>>, %arg15: memref<!tpu.dma_semaphore, #tpu.memory_space<semaphore_mem>>, %arg16: memref<!tpu.dma_semaphore, #tpu.memory_space<semaphore_mem>>, %arg17: memref<!tpu.dma_semaphore, #tpu.memory_space<semaphore_mem>>, %arg18: memref<!tpu.dma_semaphore, #tpu.memory_space<semaphore_mem>>, %arg19: memref<!tpu.dma_semaphore, #tpu.memory_space<semaphore_mem>>, %arg20: memref<!tpu.dma_semaphore, #tpu.memory_space<semaphore_mem>>, %arg21: memref<!tpu.dma_semaphore, #tpu.memory_space<semaphore_mem>>, %arg22: memref<!tpu.dma_semaphore, #tpu.memory_space<semaphore_mem>>, %arg23: memref<!tpu.dma_semaphore, #tpu.memory_space<semaphore_mem>>, %arg24: memref<!tpu.dma_semaphore, #tpu.memory_space<semaphore_mem>>, %arg25: memref<!tpu.dma_semaphore, #tpu.memory_space<semaphore_mem>>, %arg26: memref<!tpu.dma_semaphore, #tpu.memory_space<semaphore_mem>>, %arg27: memref<!tpu.dma_semaphore, #tpu.memory_space<semaphore_mem>>, %arg28: memref<!tpu.dma_semaphore, #tpu.memory_space<semaphore_mem>>, %arg29: memref<!tpu.dma_semaphore, #tpu.memory_space<semaphore_mem>>, %arg30: memref<!tpu.dma_semaphore, #tpu.memory_space<semaphore_mem>>) attributes {dimension_semantics = [#tpu.dimension_semantics<core_parallel>, #tpu.dimension_semantics<subcore_parallel>], iteration_bounds = array<i64: 2, 16>, scalar_prefetch = 0 : i64, scratch_operands = 25 : i64, tpu.core_type = #tpu.core_type<sc_vector_subcore>, window_params = [{transform_indices = #map}, {transform_indices = #map}, {transform_indices = #map}, {transform_indices = #map1}]} {
    %mul3A = arith.constant 2 : i32
    %mul3A_0 = arith.muli %arg1, %mul3A : i32
    %add3A = arith.addi %mul3A_0, %arg0 : i32
    %mul3A_1 = arith.constant 128 : i32
    %mul3A_2 = arith.muli %add3A, %mul3A_1 : i32
    "tpu.region"() ({
      %run_scoped3A = tpu.sem_alloc : memref<!tpu.dma_semaphore, #tpu.memory_space<semaphore_mem>>
      %dma_start3A_141 = arith.constant 0 : i32
      %dma_start3A_142 = tpu.memref_slice %arg4[%add3A, %dma_start3A_141] : memref<32x7168xi32, #tpu.memory_space<hbm>> -> memref<1x7168xi32, #tpu.memory_space<hbm>>
      %dma_start3A_143 = tpu.memref_squeeze %dma_start3A_142 : memref<1x7168xi32, #tpu.memory_space<hbm>> -> memref<7168xi32, #tpu.memory_space<hbm>>
      %dma_start3A_144 = arith.constant 0 : i32
      %dma_start3A_145 = tpu.memref_slice %arg4[%add3A, %dma_start3A_144] : memref<32x7168xi32, #tpu.memory_space<hbm>> -> memref<1x7168xi32, #tpu.memory_space<hbm>>
      %dma_start3A_146 = tpu.memref_squeeze %dma_start3A_145 : memref<1x7168xi32, #tpu.memory_space<hbm>> -> memref<7168xi32, #tpu.memory_space<hbm>>
      tpu.enqueue_dma source(%dma_start3A_146 : memref<7168xi32, #tpu.memory_space<hbm>>) target(%arg6 : memref<7168xi32, #tpu.memory_space<vmem>>) target_semaphore(%run_scoped3A : memref<!tpu.dma_semaphore, #tpu.memory_space<semaphore_mem>>)
      %dma_wait3A_147 = arith.constant 0 : i32
      %dma_wait3A_148 = tpu.memref_slice %arg4[%add3A, %dma_wait3A_147] : memref<32x7168xi32, #tpu.memory_space<hbm>> -> memref<1x7168xi32, #tpu.memory_space<hbm>>
      %dma_wait3A_149 = tpu.memref_squeeze %dma_wait3A_148 : memref<1x7168xi32, #tpu.memory_space<hbm>> -> memref<7168xi32, #tpu.memory_space<hbm>>
      %dma_wait3A_150 = arith.constant 0 : i32
      %dma_wait3A_151 = tpu.memref_slice %arg4[%add3A, %dma_wait3A_150] : memref<32x7168xi32, #tpu.memory_space<hbm>> -> memref<1x7168xi32, #tpu.memory_space<hbm>>
      %dma_wait3A_152 = tpu.memref_squeeze %dma_wait3A_151 : memref<1x7168xi32, #tpu.memory_space<hbm>> -> memref<7168xi32, #tpu.memory_space<hbm>>
      tpu.wait_dma2 semaphore(%run_scoped3A : memref<!tpu.dma_semaphore, #tpu.memory_space<semaphore_mem>>) src(%dma_wait3A_152 : memref<7168xi32, #tpu.memory_space<hbm>>) dst(%arg6 : memref<7168xi32, #tpu.memory_space<vmem>>)
      tpu.yield
    }) : () -> ()
    %dma_start3A = arith.constant 0 : i32
    %dma_start3A_3 = arith.constant 0 : i32
    %dma_start3A_4 = tpu.memref_slice %arg7[%dma_start3A, %dma_start3A_3] : memref<50x300xf32, #tpu.memory_space<vmem>> -> memref<50x128xf32, #tpu.memory_space<vmem>>
    %dma_start3A_5 = arith.constant 0 : i32
    %dma_start3A_6 = tpu.memref_slice %arg6[%dma_start3A_5] : memref<7168xi32, #tpu.memory_space<vmem>> -> memref<50xi32, #tpu.memory_space<vmem>>
    %dma_start3A_7 = arith.constant 0 : i32
    %dma_start3A_8 = arith.constant 0 : i32
    %dma_start3A_9 = tpu.memref_slice %arg2[%dma_start3A_7, %dma_start3A_8] : memref<100000x300xf32, #tpu.memory_space<hbm>> -> memref<100000x128xf32, #tpu.memory_space<hbm>>
    %dma_start3A_10 = arith.constant 0 : i32
    %dma_start3A_11 = arith.constant 0 : i32
    %dma_start3A_12 = tpu.memref_slice %dma_start3A_9[%dma_start3A_10, %dma_start3A_11] : memref<100000x128xf32, #tpu.memory_space<hbm>> -> memref<100000x128xf32, #tpu.memory_space<hbm>>
    tpu.enqueue_indirect_dma source(%dma_start3A_12 : memref<100000x128xf32, #tpu.memory_space<hbm>>) target(%dma_start3A_4 : memref<50x128xf32, #tpu.memory_space<vmem>>) offsets(%dma_start3A_6 : memref<50xi32, #tpu.memory_space<vmem>>) semaphore(%arg15 : memref<!tpu.dma_semaphore, #tpu.memory_space<semaphore_mem>>)
    %dma_start3A_13 = arith.constant 0 : i32
    %dma_start3A_14 = arith.constant 128 : i32
    %dma_start3A_15 = tpu.memref_slice %arg7[%dma_start3A_13, %dma_start3A_14] : memref<50x300xf32, #tpu.memory_space<vmem>> -> memref<50x128xf32, #tpu.memory_space<vmem>>
    %dma_start3A_16 = arith.constant 0 : i32
    %dma_start3A_17 = tpu.memref_slice %arg6[%dma_start3A_16] : memref<7168xi32, #tpu.memory_space<vmem>> -> memref<50xi32, #tpu.memory_space<vmem>>
    %dma_start3A_18 = arith.constant 0 : i32
    %dma_start3A_19 = arith.constant 128 : i32
    %dma_start3A_20 = tpu.memref_slice %arg2[%dma_start3A_18, %dma_start3A_19] : memref<100000x300xf32, #tpu.memory_space<hbm>> -> memref<100000x128xf32, #tpu.memory_space<hbm>>
    %dma_start3A_21 = arith.constant 0 : i32
    %dma_start3A_22 = arith.constant 0 : i32
    %dma_start3A_23 = tpu.memref_slice %dma_start3A_20[%dma_start3A_21, %dma_start3A_22] : memref<100000x128xf32, #tpu.memory_space<hbm>> -> memref<100000x128xf32, #tpu.memory_space<hbm>>
    tpu.enqueue_indirect_dma source(%dma_start3A_23 : memref<100000x128xf32, #tpu.memory_space<hbm>>) target(%dma_start3A_15 : memref<50x128xf32, #tpu.memory_space<vmem>>) offsets(%dma_start3A_17 : memref<50xi32, #tpu.memory_space<vmem>>) semaphore(%arg19 : memref<!tpu.dma_semaphore, #tpu.memory_space<semaphore_mem>>)
    %dma_start3A_24 = arith.constant 0 : i32
    %dma_start3A_25 = tpu.memref_slice %arg6[%dma_start3A_24] : memref<7168xi32, #tpu.memory_space<vmem>> -> memref<50xi32, #tpu.memory_space<vmem>>
    %dma_start3A_26 = arith.constant 0 : i32
    %dma_start3A_27 = arith.constant 0 : i32
    %dma_start3A_28 = tpu.memref_slice %arg3[%dma_start3A_26, %dma_start3A_27] : memref<100000x128xf32, #tpu.memory_space<hbm>> -> memref<100000x128xf32, #tpu.memory_space<hbm>>
    tpu.enqueue_indirect_dma source(%dma_start3A_28 : memref<100000x128xf32, #tpu.memory_space<hbm>>) target(%arg11 : memref<50x128xf32, #tpu.memory_space<vmem>>) offsets(%dma_start3A_25 : memref<50xi32, #tpu.memory_space<vmem>>) semaphore(%arg23 : memref<!tpu.dma_semaphore, #tpu.memory_space<semaphore_mem>>)
    %dma_start3A_29 = arith.constant 0 : i32
    %dma_start3A_30 = arith.constant 0 : i32
    %dma_start3A_31 = tpu.memref_slice %arg8[%dma_start3A_29, %dma_start3A_30] : memref<50x300xf32, #tpu.memory_space<vmem>> -> memref<50x128xf32, #tpu.memory_space<vmem>>
    %dma_start3A_32 = arith.constant 56 : i32
    %dma_start3A_33 = tpu.memref_slice %arg6[%dma_start3A_32] : memref<7168xi32, #tpu.memory_space<vmem>> -> memref<50xi32, #tpu.memory_space<vmem>>
    %dma_start3A_34 = arith.constant 0 : i32
    %dma_start3A_35 = arith.constant 0 : i32
    %dma_start3A_36 = tpu.memref_slice %arg2[%dma_start3A_34, %dma_start3A_35] : memref<100000x300xf32, #tpu.memory_space<hbm>> -> memref<100000x128xf32, #tpu.memory_space<hbm>>
    %dma_start3A_37 = arith.constant 0 : i32
    %dma_start3A_38 = arith.constant 0 : i32
    %dma_start3A_39 = tpu.memref_slice %dma_start3A_36[%dma_start3A_37, %dma_start3A_38] : memref<100000x128xf32, #tpu.memory_space<hbm>> -> memref<100000x128xf32, #tpu.memory_space<hbm>>
    tpu.enqueue_indirect_dma source(%dma_start3A_39 : memref<100000x128xf32, #tpu.memory_space<hbm>>) target(%dma_start3A_31 : memref<50x128xf32, #tpu.memory_space<vmem>>) offsets(%dma_start3A_33 : memref<50xi32, #tpu.memory_space<vmem>>) semaphore(%arg16 : memref<!tpu.dma_semaphore, #tpu.memory_space<semaphore_mem>>)
    %dma_start3A_40 = arith.constant 0 : i32
    %dma_start3A_41 = arith.constant 128 : i32
    %dma_start3A_42 = tpu.memref_slice %arg8[%dma_start3A_40, %dma_start3A_41] : memref<50x300xf32, #tpu.memory_space<vmem>> -> memref<50x128xf32, #tpu.memory_space<vmem>>
    %dma_start3A_43 = arith.constant 56 : i32
    %dma_start3A_44 = tpu.memref_slice %arg6[%dma_start3A_43] : memref<7168xi32, #tpu.memory_space<vmem>> -> memref<50xi32, #tpu.memory_space<vmem>>
    %dma_start3A_45 = arith.constant 0 : i32
    %dma_start3A_46 = arith.constant 128 : i32
    %dma_start3A_47 = tpu.memref_slice %arg2[%dma_start3A_45, %dma_start3A_46] : memref<100000x300xf32, #tpu.memory_space<hbm>> -> memref<100000x128xf32, #tpu.memory_space<hbm>>
    %dma_start3A_48 = arith.constant 0 : i32
    %dma_start3A_49 = arith.constant 0 : i32
    %dma_start3A_50 = tpu.memref_slice %dma_start3A_47[%dma_start3A_48, %dma_start3A_49] : memref<100000x128xf32, #tpu.memory_space<hbm>> -> memref<100000x128xf32, #tpu.memory_space<hbm>>
    tpu.enqueue_indirect_dma source(%dma_start3A_50 : memref<100000x128xf32, #tpu.memory_space<hbm>>) target(%dma_start3A_42 : memref<50x128xf32, #tpu.memory_space<vmem>>) offsets(%dma_start3A_44 : memref<50xi32, #tpu.memory_space<vmem>>) semaphore(%arg20 : memref<!tpu.dma_semaphore, #tpu.memory_space<semaphore_mem>>)
    %dma_start3A_51 = arith.constant 56 : i32
    %dma_start3A_52 = tpu.memref_slice %arg6[%dma_start3A_51] : memref<7168xi32, #tpu.memory_space<vmem>> -> memref<50xi32, #tpu.memory_space<vmem>>
    %dma_start3A_53 = arith.constant 0 : i32
    %dma_start3A_54 = arith.constant 0 : i32
    %dma_start3A_55 = tpu.memref_slice %arg3[%dma_start3A_53, %dma_start3A_54] : memref<100000x128xf32, #tpu.memory_space<hbm>> -> memref<100000x128xf32, #tpu.memory_space<hbm>>
    tpu.enqueue_indirect_dma source(%dma_start3A_55 : memref<100000x128xf32, #tpu.memory_space<hbm>>) target(%arg12 : memref<50x128xf32, #tpu.memory_space<vmem>>) offsets(%dma_start3A_52 : memref<50xi32, #tpu.memory_space<vmem>>) semaphore(%arg24 : memref<!tpu.dma_semaphore, #tpu.memory_space<semaphore_mem>>)
    %dma_start3A_56 = arith.constant 0 : i32
    %dma_start3A_57 = arith.constant 0 : i32
    %dma_start3A_58 = tpu.memref_slice %arg9[%dma_start3A_56, %dma_start3A_57] : memref<50x300xf32, #tpu.memory_space<vmem>> -> memref<50x128xf32, #tpu.memory_space<vmem>>
    %dma_start3A_59 = arith.constant 112 : i32
    %dma_start3A_60 = tpu.memref_slice %arg6[%dma_start3A_59] : memref<7168xi32, #tpu.memory_space<vmem>> -> memref<50xi32, #tpu.memory_space<vmem>>
    %dma_start3A_61 = arith.constant 0 : i32
    %dma_start3A_62 = arith.constant 0 : i32
    %dma_start3A_63 = tpu.memref_slice %arg2[%dma_start3A_61, %dma_start3A_62] : memref<100000x300xf32, #tpu.memory_space<hbm>> -> memref<100000x128xf32, #tpu.memory_space<hbm>>
    %dma_start3A_64 = arith.constant 0 : i32
    %dma_start3A_65 = arith.constant 0 : i32
    %dma_start3A_66 = tpu.memref_slice %dma_start3A_63[%dma_start3A_64, %dma_start3A_65] : memref<100000x128xf32, #tpu.memory_space<hbm>> -> memref<100000x128xf32, #tpu.memory_space<hbm>>
    tpu.enqueue_indirect_dma source(%dma_start3A_66 : memref<100000x128xf32, #tpu.memory_space<hbm>>) target(%dma_start3A_58 : memref<50x128xf32, #tpu.memory_space<vmem>>) offsets(%dma_start3A_60 : memref<50xi32, #tpu.memory_space<vmem>>) semaphore(%arg17 : memref<!tpu.dma_semaphore, #tpu.memory_space<semaphore_mem>>)
    %dma_start3A_67 = arith.constant 0 : i32
    %dma_start3A_68 = arith.constant 128 : i32
    %dma_start3A_69 = tpu.memref_slice %arg9[%dma_start3A_67, %dma_start3A_68] : memref<50x300xf32, #tpu.memory_space<vmem>> -> memref<50x128xf32, #tpu.memory_space<vmem>>
    %dma_start3A_70 = arith.constant 112 : i32
    %dma_start3A_71 = tpu.memref_slice %arg6[%dma_start3A_70] : memref<7168xi32, #tpu.memory_space<vmem>> -> memref<50xi32, #tpu.memory_space<vmem>>
    %dma_start3A_72 = arith.constant 0 : i32
    %dma_start3A_73 = arith.constant 128 : i32
    %dma_start3A_74 = tpu.memref_slice %arg2[%dma_start3A_72, %dma_start3A_73] : memref<100000x300xf32, #tpu.memory_space<hbm>> -> memref<100000x128xf32, #tpu.memory_space<hbm>>
    %dma_start3A_75 = arith.constant 0 : i32
    %dma_start3A_76 = arith.constant 0 : i32
    %dma_start3A_77 = tpu.memref_slice %dma_start3A_74[%dma_start3A_75, %dma_start3A_76] : memref<100000x128xf32, #tpu.memory_space<hbm>> -> memref<100000x128xf32, #tpu.memory_space<hbm>>
    tpu.enqueue_indirect_dma source(%dma_start3A_77 : memref<100000x128xf32, #tpu.memory_space<hbm>>) target(%dma_start3A_69 : memref<50x128xf32, #tpu.memory_space<vmem>>) offsets(%dma_start3A_71 : memref<50xi32, #tpu.memory_space<vmem>>) semaphore(%arg21 : memref<!tpu.dma_semaphore, #tpu.memory_space<semaphore_mem>>)
    %dma_start3A_78 = arith.constant 112 : i32
    %dma_start3A_79 = tpu.memref_slice %arg6[%dma_start3A_78] : memref<7168xi32, #tpu.memory_space<vmem>> -> memref<50xi32, #tpu.memory_space<vmem>>
    %dma_start3A_80 = arith.constant 0 : i32
    %dma_start3A_81 = arith.constant 0 : i32
    %dma_start3A_82 = tpu.memref_slice %arg3[%dma_start3A_80, %dma_start3A_81] : memref<100000x128xf32, #tpu.memory_space<hbm>> -> memref<100000x128xf32, #tpu.memory_space<hbm>>
    tpu.enqueue_indirect_dma source(%dma_start3A_82 : memref<100000x128xf32, #tpu.memory_space<hbm>>) target(%arg13 : memref<50x128xf32, #tpu.memory_space<vmem>>) offsets(%dma_start3A_79 : memref<50xi32, #tpu.memory_space<vmem>>) semaphore(%arg25 : memref<!tpu.dma_semaphore, #tpu.memory_space<semaphore_mem>>)
    %scan3A = arith.constant 0 : i32
    %scan3A_83 = arith.constant 32 : i32
    %scan3A_84 = arith.addi %scan3A, %scan3A_83 : i32
    %scan3A_85 = arith.constant 1 : i32
    scf.for %scan3A_141 = %scan3A to %scan3A_84 step %scan3A_85  : i32 {
      %mul3A_142 = arith.constant 1 : i32
      %mul3A_143 = arith.muli %scan3A_141, %mul3A_142 : i32
      %add3A_144 = arith.constant 0 : i32
      %add3A_145 = arith.addi %add3A_144, %mul3A_143 : i32
      %mul3A_146 = arith.constant 4 : i32
      %mul3A_147 = arith.muli %add3A_145, %mul3A_146 : i32
      %add3A_148 = arith.constant 0 : i32
      %add3A_149 = arith.addi %mul3A_147, %add3A_148 : i32
      %mul3A_150 = arith.constant 56 : i32
      %mul3A_151 = arith.muli %add3A_149, %mul3A_150 : i32
      %dma_wait3A_152 = arith.constant 0 : i32
      %dma_wait3A_153 = arith.constant 0 : i32
      %dma_wait3A_154 = tpu.memref_slice %arg7[%dma_wait3A_152, %dma_wait3A_153] : memref<50x300xf32, #tpu.memory_space<vmem>> -> memref<50x128xf32, #tpu.memory_space<vmem>>
      %dma_wait3A_155 = tpu.memref_slice %arg6[%mul3A_151] : memref<7168xi32, #tpu.memory_space<vmem>> -> memref<50xi32, #tpu.memory_space<vmem>>
      %dma_wait3A_156 = arith.constant 0 : i32
      %dma_wait3A_157 = arith.constant 0 : i32
      %dma_wait3A_158 = tpu.memref_slice %arg2[%dma_wait3A_156, %dma_wait3A_157] : memref<100000x300xf32, #tpu.memory_space<hbm>> -> memref<100000x128xf32, #tpu.memory_space<hbm>>
      %dma_wait3A_159 = arith.constant 0 : i32
      %dma_wait3A_160 = arith.constant 0 : i32
      %dma_wait3A_161 = tpu.memref_slice %dma_wait3A_158[%dma_wait3A_159, %dma_wait3A_160] : memref<100000x128xf32, #tpu.memory_space<hbm>> -> memref<100000x128xf32, #tpu.memory_space<hbm>>
      tpu.wait_indirect_dma semaphore(%arg15 : memref<!tpu.dma_semaphore, #tpu.memory_space<semaphore_mem>>) src(%dma_wait3A_161 : memref<100000x128xf32, #tpu.memory_space<hbm>>) dst(%dma_wait3A_154 : memref<50x128xf32, #tpu.memory_space<vmem>>)
      %dma_wait3A_162 = arith.constant 0 : i32
      %dma_wait3A_163 = arith.constant 128 : i32
      %dma_wait3A_164 = tpu.memref_slice %arg7[%dma_wait3A_162, %dma_wait3A_163] : memref<50x300xf32, #tpu.memory_space<vmem>> -> memref<50x128xf32, #tpu.memory_space<vmem>>
      %dma_wait3A_165 = tpu.memref_slice %arg6[%mul3A_151] : memref<7168xi32, #tpu.memory_space<vmem>> -> memref<50xi32, #tpu.memory_space<vmem>>
      %dma_wait3A_166 = arith.constant 0 : i32
      %dma_wait3A_167 = arith.constant 128 : i32
      %dma_wait3A_168 = tpu.memref_slice %arg2[%dma_wait3A_166, %dma_wait3A_167] : memref<100000x300xf32, #tpu.memory_space<hbm>> -> memref<100000x128xf32, #tpu.memory_space<hbm>>
      %dma_wait3A_169 = arith.constant 0 : i32
      %dma_wait3A_170 = arith.constant 0 : i32
      %dma_wait3A_171 = tpu.memref_slice %dma_wait3A_168[%dma_wait3A_169, %dma_wait3A_170] : memref<100000x128xf32, #tpu.memory_space<hbm>> -> memref<100000x128xf32, #tpu.memory_space<hbm>>
      tpu.wait_indirect_dma semaphore(%arg19 : memref<!tpu.dma_semaphore, #tpu.memory_space<semaphore_mem>>) src(%dma_wait3A_171 : memref<100000x128xf32, #tpu.memory_space<hbm>>) dst(%dma_wait3A_164 : memref<50x128xf32, #tpu.memory_space<vmem>>)
      %dma_wait3A_172 = tpu.memref_slice %arg6[%mul3A_151] : memref<7168xi32, #tpu.memory_space<vmem>> -> memref<50xi32, #tpu.memory_space<vmem>>
      %dma_wait3A_173 = arith.constant 0 : i32
      %dma_wait3A_174 = arith.constant 0 : i32
      %dma_wait3A_175 = tpu.memref_slice %arg3[%dma_wait3A_173, %dma_wait3A_174] : memref<100000x128xf32, #tpu.memory_space<hbm>> -> memref<100000x128xf32, #tpu.memory_space<hbm>>
      tpu.wait_indirect_dma semaphore(%arg23 : memref<!tpu.dma_semaphore, #tpu.memory_space<semaphore_mem>>) src(%dma_wait3A_175 : memref<100000x128xf32, #tpu.memory_space<hbm>>) dst(%arg11 : memref<50x128xf32, #tpu.memory_space<vmem>>)
      %scan3A_176 = arith.constant 0 : i32
      %scan3A_177 = arith.constant 50 : i32
      %scan3A_178 = arith.addi %scan3A_176, %scan3A_177 : i32
      %scan3A_179 = arith.constant 1 : i32
      scf.for %scan3A_349 = %scan3A_176 to %scan3A_178 step %scan3A_179  : i32 {
        %mul3A_350 = arith.constant 1 : i32
        %mul3A_351 = arith.muli %scan3A_349, %mul3A_350 : i32
        %add3A_352 = arith.constant 0 : i32
        %add3A_353 = arith.addi %add3A_352, %mul3A_351 : i32
        %get3A = arith.index_cast %add3A_353 : i32 to index
        %get3A_354 = arith.constant 0 : index
        %get3A_355 = tpu.vector_load %arg11[%get3A, %get3A_354] {strides = array<i32>} : memref<50x128xf32, #tpu.memory_space<vmem>>, vector<16xf32>,
        %swap3A = arith.index_cast %add3A_353 : i32 to index
        %swap3A_356 = arith.constant 256 : index
        %swap3A_357 = tpu.vector_load %arg7[%swap3A, %swap3A_356] {strides = array<i32>} : memref<50x300xf32, #tpu.memory_space<vmem>>, vector<16xf32>,
        tpu.vector_store %arg7[%swap3A, %swap3A_356], %get3A_355 {strides = array<i32>} : memref<50x300xf32, #tpu.memory_space<vmem>>, vector<16xf32>,
        %get3A_358 = arith.index_cast %add3A_353 : i32 to index
        %get3A_359 = arith.constant 16 : index
        %get3A_360 = tpu.vector_load %arg11[%get3A_358, %get3A_359] {strides = array<i32>} : memref<50x128xf32, #tpu.memory_space<vmem>>, vector<16xf32>,
        %swap3A_361 = arith.index_cast %add3A_353 : i32 to index
        %swap3A_362 = arith.constant 272 : index
        %swap3A_363 = tpu.vector_load %arg7[%swap3A_361, %swap3A_362] {strides = array<i32>} : memref<50x300xf32, #tpu.memory_space<vmem>>, vector<16xf32>,
        tpu.vector_store %arg7[%swap3A_361, %swap3A_362], %get3A_360 {strides = array<i32>} : memref<50x300xf32, #tpu.memory_space<vmem>>, vector<16xf32>,
        %get3A_364 = arith.index_cast %add3A_353 : i32 to index
        %get3A_365 = arith.constant 32 : index
        %get3A_366 = tpu.vector_load %arg11[%get3A_364, %get3A_365] {strides = array<i32>} : memref<50x128xf32, #tpu.memory_space<vmem>>, vector<16xf32>,
        %iota3A = tpu.iota {dimensions = array<i32: 0>} : vector<16xi32>
        %add3A_367 = arith.constant 288 : i32
        %add3A_368 = vector.broadcast %add3A_367 : i32 to vector<16xi32>
        %add3A_369 = arith.addi %iota3A, %add3A_368 : vector<16xi32>
        %broadcast_in_dim3A = vector.broadcast %add3A_353 : i32 to vector<16xi32>
        %lt3A_370 = arith.constant 300 : i32
        %lt3A_371 = vector.broadcast %lt3A_370 : i32 to vector<16xi32>
        %lt3A_372 = arith.cmpi slt, %add3A_369, %lt3A_371 : vector<16xi32>
        tpu.vector_store_idx %arg7[%broadcast_in_dim3A, %add3A_369], %get3A_366 masked %lt3A_372 : memref<50x300xf32, #tpu.memory_space<vmem>>[vector<16xi32>, vector<16xi32>], vector<16xf32>, vector<16xi1>
      }
      %scan3A_180 = arith.constant 50 : i32
      %add3A_181 = arith.addi %mul3A_2, %add3A_149 : i32
      %dma_start3A_182 = arith.constant 0 : i32
      %dma_start3A_183 = arith.constant 0 : i32
      %dma_start3A_184 = tpu.memref_slice %arg5[%add3A_181, %dma_start3A_182, %dma_start3A_183] : memref<4096x50x300xf32, #tpu.memory_space<hbm>> -> memref<1x50x300xf32, #tpu.memory_space<hbm>>
      %dma_start3A_185 = tpu.memref_squeeze %dma_start3A_184 : memref<1x50x300xf32, #tpu.memory_space<hbm>> -> memref<50x300xf32, #tpu.memory_space<hbm>>
      %dma_start3A_186 = arith.constant 0 : i32
      %dma_start3A_187 = arith.constant 0 : i32
      %dma_start3A_188 = tpu.memref_slice %arg5[%add3A_181, %dma_start3A_186, %dma_start3A_187] : memref<4096x50x300xf32, #tpu.memory_space<hbm>> -> memref<1x50x300xf32, #tpu.memory_space<hbm>>
      %dma_start3A_189 = tpu.memref_squeeze %dma_start3A_188 : memref<1x50x300xf32, #tpu.memory_space<hbm>> -> memref<50x300xf32, #tpu.memory_space<hbm>>
      tpu.enqueue_dma source(%arg7 : memref<50x300xf32, #tpu.memory_space<vmem>>) target(%dma_start3A_189 : memref<50x300xf32, #tpu.memory_space<hbm>>) target_semaphore(%arg27 : memref<!tpu.dma_semaphore, #tpu.memory_space<semaphore_mem>>)
      %add3A_190 = arith.constant 4 : i32
      %add3A_191 = arith.addi %add3A_149, %add3A_190 : i32
      %sub3A_192 = arith.constant 1 : i32
      %sub3A_193 = arith.subi %add3A_191, %sub3A_192 : i32
      %lt3A = arith.constant 128 : i32
      %lt3A_194 = arith.cmpi slt, %sub3A_193, %lt3A : i32
      %convert_element_type3A = arith.extui %lt3A_194 : i1 to i32
      %cond3A = arith.constant 0 : i32
      %cond3A_195 = arith.cmpi ne, %convert_element_type3A, %cond3A : i32
      scf.if %cond3A_195 {
        %ge3A = arith.constant 1 : i32
        %ge3A_349 = arith.cmpi sge, %add3A_149, %ge3A : i32
        %convert_element_type3A_350 = arith.extui %ge3A_349 : i1 to i32
        %cond3A_351 = arith.constant 0 : i32
        %cond3A_352 = arith.cmpi ne, %convert_element_type3A_350, %cond3A_351 : i32
        scf.if %cond3A_352 {
          %add3A_379 = arith.addi %mul3A_2, %add3A_149 : i32
          %sub3A_380 = arith.constant 1 : i32
          %sub3A_381 = arith.subi %add3A_379, %sub3A_380 : i32
          %dma_wait3A_382 = arith.constant 0 : i32
          %dma_wait3A_383 = arith.constant 0 : i32
          %dma_wait3A_384 = tpu.memref_slice %arg5[%sub3A_381, %dma_wait3A_382, %dma_wait3A_383] : memref<4096x50x300xf32, #tpu.memory_space<hbm>> -> memref<1x50x300xf32, #tpu.memory_space<hbm>>
          %dma_wait3A_385 = tpu.memref_squeeze %dma_wait3A_384 : memref<1x50x300xf32, #tpu.memory_space<hbm>> -> memref<50x300xf32, #tpu.memory_space<hbm>>
          %dma_wait3A_386 = arith.constant 0 : i32
          %dma_wait3A_387 = arith.constant 0 : i32
          %dma_wait3A_388 = tpu.memref_slice %arg5[%sub3A_381, %dma_wait3A_386, %dma_wait3A_387] : memref<4096x50x300xf32, #tpu.memory_space<hbm>> -> memref<1x50x300xf32, #tpu.memory_space<hbm>>
          %dma_wait3A_389 = tpu.memref_squeeze %dma_wait3A_388 : memref<1x50x300xf32, #tpu.memory_space<hbm>> -> memref<50x300xf32, #tpu.memory_space<hbm>>
          tpu.wait_dma2 semaphore(%arg30 : memref<!tpu.dma_semaphore, #tpu.memory_space<semaphore_mem>>) src(%arg10 : memref<50x300xf32, #tpu.memory_space<vmem>>) dst(%dma_wait3A_389 : memref<50x300xf32, #tpu.memory_space<hbm>>)
        } else {
        }
        %mul3A_353 = arith.constant 56 : i32
        %mul3A_354 = arith.muli %sub3A_193, %mul3A_353 : i32
        %dma_start3A_355 = arith.constant 0 : i32
        %dma_start3A_356 = arith.constant 0 : i32
        %dma_start3A_357 = tpu.memref_slice %arg10[%dma_start3A_355, %dma_start3A_356] : memref<50x300xf32, #tpu.memory_space<vmem>> -> memref<50x128xf32, #tpu.memory_space<vmem>>
        %dma_start3A_358 = tpu.memref_slice %arg6[%mul3A_354] : memref<7168xi32, #tpu.memory_space<vmem>> -> memref<50xi32, #tpu.memory_space<vmem>>
        %dma_start3A_359 = arith.constant 0 : i32
        %dma_start3A_360 = arith.constant 0 : i32
        %dma_start3A_361 = tpu.memref_slice %arg2[%dma_start3A_359, %dma_start3A_360] : memref<100000x300xf32, #tpu.memory_space<hbm>> -> memref<100000x128xf32, #tpu.memory_space<hbm>>
        %dma_start3A_362 = arith.constant 0 : i32
        %dma_start3A_363 = arith.constant 0 : i32
        %dma_start3A_364 = tpu.memref_slice %dma_start3A_361[%dma_start3A_362, %dma_start3A_363] : memref<100000x128xf32, #tpu.memory_space<hbm>> -> memref<100000x128xf32, #tpu.memory_space<hbm>>
        tpu.enqueue_indirect_dma source(%dma_start3A_364 : memref<100000x128xf32, #tpu.memory_space<hbm>>) target(%dma_start3A_357 : memref<50x128xf32, #tpu.memory_space<vmem>>) offsets(%dma_start3A_358 : memref<50xi32, #tpu.memory_space<vmem>>) semaphore(%arg18 : memref<!tpu.dma_semaphore, #tpu.memory_space<semaphore_mem>>)
        %dma_start3A_365 = arith.constant 0 : i32
        %dma_start3A_366 = arith.constant 128 : i32
        %dma_start3A_367 = tpu.memref_slice %arg10[%dma_start3A_365, %dma_start3A_366] : memref<50x300xf32, #tpu.memory_space<vmem>> -> memref<50x128xf32, #tpu.memory_space<vmem>>
        %dma_start3A_368 = tpu.memref_slice %arg6[%mul3A_354] : memref<7168xi32, #tpu.memory_space<vmem>> -> memref<50xi32, #tpu.memory_space<vmem>>
        %dma_start3A_369 = arith.constant 0 : i32
        %dma_start3A_370 = arith.constant 128 : i32
        %dma_start3A_371 = tpu.memref_slice %arg2[%dma_start3A_369, %dma_start3A_370] : memref<100000x300xf32, #tpu.memory_space<hbm>> -> memref<100000x128xf32, #tpu.memory_space<hbm>>
        %dma_start3A_372 = arith.constant 0 : i32
        %dma_start3A_373 = arith.constant 0 : i32
        %dma_start3A_374 = tpu.memref_slice %dma_start3A_371[%dma_start3A_372, %dma_start3A_373] : memref<100000x128xf32, #tpu.memory_space<hbm>> -> memref<100000x128xf32, #tpu.memory_space<hbm>>
        tpu.enqueue_indirect_dma source(%dma_start3A_374 : memref<100000x128xf32, #tpu.memory_space<hbm>>) target(%dma_start3A_367 : memref<50x128xf32, #tpu.memory_space<vmem>>) offsets(%dma_start3A_368 : memref<50xi32, #tpu.memory_space<vmem>>) semaphore(%arg22 : memref<!tpu.dma_semaphore, #tpu.memory_space<semaphore_mem>>)
        %dma_start3A_375 = tpu.memref_slice %arg6[%mul3A_354] : memref<7168xi32, #tpu.memory_space<vmem>> -> memref<50xi32, #tpu.memory_space<vmem>>
        %dma_start3A_376 = arith.constant 0 : i32
        %dma_start3A_377 = arith.constant 0 : i32
        %dma_start3A_378 = tpu.memref_slice %arg3[%dma_start3A_376, %dma_start3A_377] : memref<100000x128xf32, #tpu.memory_space<hbm>> -> memref<100000x128xf32, #tpu.memory_space<hbm>>
        tpu.enqueue_indirect_dma source(%dma_start3A_378 : memref<100000x128xf32, #tpu.memory_space<hbm>>) target(%arg14 : memref<50x128xf32, #tpu.memory_space<vmem>>) offsets(%dma_start3A_375 : memref<50xi32, #tpu.memory_space<vmem>>) semaphore(%arg26 : memref<!tpu.dma_semaphore, #tpu.memory_space<semaphore_mem>>)
      } else {
      }
      %add3A_196 = arith.constant 1 : i32
      %add3A_197 = arith.addi %mul3A_147, %add3A_196 : i32
      %mul3A_198 = arith.constant 56 : i32
      %mul3A_199 = arith.muli %add3A_197, %mul3A_198 : i32
      %dma_wait3A_200 = arith.constant 0 : i32
      %dma_wait3A_201 = arith.constant 0 : i32
      %dma_wait3A_202 = tpu.memref_slice %arg8[%dma_wait3A_200, %dma_wait3A_201] : memref<50x300xf32, #tpu.memory_space<vmem>> -> memref<50x128xf32, #tpu.memory_space<vmem>>
      %dma_wait3A_203 = tpu.memref_slice %arg6[%mul3A_199] : memref<7168xi32, #tpu.memory_space<vmem>> -> memref<50xi32, #tpu.memory_space<vmem>>
      %dma_wait3A_204 = arith.constant 0 : i32
      %dma_wait3A_205 = arith.constant 0 : i32
      %dma_wait3A_206 = tpu.memref_slice %arg2[%dma_wait3A_204, %dma_wait3A_205] : memref<100000x300xf32, #tpu.memory_space<hbm>> -> memref<100000x128xf32, #tpu.memory_space<hbm>>
      %dma_wait3A_207 = arith.constant 0 : i32
      %dma_wait3A_208 = arith.constant 0 : i32
      %dma_wait3A_209 = tpu.memref_slice %dma_wait3A_206[%dma_wait3A_207, %dma_wait3A_208] : memref<100000x128xf32, #tpu.memory_space<hbm>> -> memref<100000x128xf32, #tpu.memory_space<hbm>>
      tpu.wait_indirect_dma semaphore(%arg16 : memref<!tpu.dma_semaphore, #tpu.memory_space<semaphore_mem>>) src(%dma_wait3A_209 : memref<100000x128xf32, #tpu.memory_space<hbm>>) dst(%dma_wait3A_202 : memref<50x128xf32, #tpu.memory_space<vmem>>)
      %dma_wait3A_210 = arith.constant 0 : i32
      %dma_wait3A_211 = arith.constant 128 : i32
      %dma_wait3A_212 = tpu.memref_slice %arg8[%dma_wait3A_210, %dma_wait3A_211] : memref<50x300xf32, #tpu.memory_space<vmem>> -> memref<50x128xf32, #tpu.memory_space<vmem>>
      %dma_wait3A_213 = tpu.memref_slice %arg6[%mul3A_199] : memref<7168xi32, #tpu.memory_space<vmem>> -> memref<50xi32, #tpu.memory_space<vmem>>
      %dma_wait3A_214 = arith.constant 0 : i32
      %dma_wait3A_215 = arith.constant 128 : i32
      %dma_wait3A_216 = tpu.memref_slice %arg2[%dma_wait3A_214, %dma_wait3A_215] : memref<100000x300xf32, #tpu.memory_space<hbm>> -> memref<100000x128xf32, #tpu.memory_space<hbm>>
      %dma_wait3A_217 = arith.constant 0 : i32
      %dma_wait3A_218 = arith.constant 0 : i32
      %dma_wait3A_219 = tpu.memref_slice %dma_wait3A_216[%dma_wait3A_217, %dma_wait3A_218] : memref<100000x128xf32, #tpu.memory_space<hbm>> -> memref<100000x128xf32, #tpu.memory_space<hbm>>
      tpu.wait_indirect_dma semaphore(%arg20 : memref<!tpu.dma_semaphore, #tpu.memory_space<semaphore_mem>>) src(%dma_wait3A_219 : memref<100000x128xf32, #tpu.memory_space<hbm>>) dst(%dma_wait3A_212 : memref<50x128xf32, #tpu.memory_space<vmem>>)
      %dma_wait3A_220 = tpu.memref_slice %arg6[%mul3A_199] : memref<7168xi32, #tpu.memory_space<vmem>> -> memref<50xi32, #tpu.memory_space<vmem>>
      %dma_wait3A_221 = arith.constant 0 : i32
      %dma_wait3A_222 = arith.constant 0 : i32
      %dma_wait3A_223 = tpu.memref_slice %arg3[%dma_wait3A_221, %dma_wait3A_222] : memref<100000x128xf32, #tpu.memory_space<hbm>> -> memref<100000x128xf32, #tpu.memory_space<hbm>>
      tpu.wait_indirect_dma semaphore(%arg24 : memref<!tpu.dma_semaphore, #tpu.memory_space<semaphore_mem>>) src(%dma_wait3A_223 : memref<100000x128xf32, #tpu.memory_space<hbm>>) dst(%arg12 : memref<50x128xf32, #tpu.memory_space<vmem>>)
      %scan3A_224 = arith.constant 0 : i32
      %scan3A_225 = arith.constant 50 : i32
      %scan3A_226 = arith.addi %scan3A_224, %scan3A_225 : i32
      %scan3A_227 = arith.constant 1 : i32
      scf.for %scan3A_349 = %scan3A_224 to %scan3A_226 step %scan3A_227  : i32 {
        %mul3A_350 = arith.constant 1 : i32
        %mul3A_351 = arith.muli %scan3A_349, %mul3A_350 : i32
        %add3A_352 = arith.constant 0 : i32
        %add3A_353 = arith.addi %add3A_352, %mul3A_351 : i32
        %get3A = arith.index_cast %add3A_353 : i32 to index
        %get3A_354 = arith.constant 0 : index
        %get3A_355 = tpu.vector_load %arg12[%get3A, %get3A_354] {strides = array<i32>} : memref<50x128xf32, #tpu.memory_space<vmem>>, vector<16xf32>,
        %swap3A = arith.index_cast %add3A_353 : i32 to index
        %swap3A_356 = arith.constant 256 : index
        %swap3A_357 = tpu.vector_load %arg8[%swap3A, %swap3A_356] {strides = array<i32>} : memref<50x300xf32, #tpu.memory_space<vmem>>, vector<16xf32>,
        tpu.vector_store %arg8[%swap3A, %swap3A_356], %get3A_355 {strides = array<i32>} : memref<50x300xf32, #tpu.memory_space<vmem>>, vector<16xf32>,
        %get3A_358 = arith.index_cast %add3A_353 : i32 to index
        %get3A_359 = arith.constant 16 : index
        %get3A_360 = tpu.vector_load %arg12[%get3A_358, %get3A_359] {strides = array<i32>} : memref<50x128xf32, #tpu.memory_space<vmem>>, vector<16xf32>,
        %swap3A_361 = arith.index_cast %add3A_353 : i32 to index
        %swap3A_362 = arith.constant 272 : index
        %swap3A_363 = tpu.vector_load %arg8[%swap3A_361, %swap3A_362] {strides = array<i32>} : memref<50x300xf32, #tpu.memory_space<vmem>>, vector<16xf32>,
        tpu.vector_store %arg8[%swap3A_361, %swap3A_362], %get3A_360 {strides = array<i32>} : memref<50x300xf32, #tpu.memory_space<vmem>>, vector<16xf32>,
        %get3A_364 = arith.index_cast %add3A_353 : i32 to index
        %get3A_365 = arith.constant 32 : index
        %get3A_366 = tpu.vector_load %arg12[%get3A_364, %get3A_365] {strides = array<i32>} : memref<50x128xf32, #tpu.memory_space<vmem>>, vector<16xf32>,
        %iota3A = tpu.iota {dimensions = array<i32: 0>} : vector<16xi32>
        %add3A_367 = arith.constant 288 : i32
        %add3A_368 = vector.broadcast %add3A_367 : i32 to vector<16xi32>
        %add3A_369 = arith.addi %iota3A, %add3A_368 : vector<16xi32>
        %broadcast_in_dim3A = vector.broadcast %add3A_353 : i32 to vector<16xi32>
        %lt3A_370 = arith.constant 300 : i32
        %lt3A_371 = vector.broadcast %lt3A_370 : i32 to vector<16xi32>
        %lt3A_372 = arith.cmpi slt, %add3A_369, %lt3A_371 : vector<16xi32>
        tpu.vector_store_idx %arg8[%broadcast_in_dim3A, %add3A_369], %get3A_366 masked %lt3A_372 : memref<50x300xf32, #tpu.memory_space<vmem>>[vector<16xi32>, vector<16xi32>], vector<16xf32>, vector<16xi1>
      }
      %scan3A_228 = arith.constant 50 : i32
      %add3A_229 = arith.addi %mul3A_2, %add3A_197 : i32
      %dma_start3A_230 = arith.constant 0 : i32
      %dma_start3A_231 = arith.constant 0 : i32
      %dma_start3A_232 = tpu.memref_slice %arg5[%add3A_229, %dma_start3A_230, %dma_start3A_231] : memref<4096x50x300xf32, #tpu.memory_space<hbm>> -> memref<1x50x300xf32, #tpu.memory_space<hbm>>
      %dma_start3A_233 = tpu.memref_squeeze %dma_start3A_232 : memref<1x50x300xf32, #tpu.memory_space<hbm>> -> memref<50x300xf32, #tpu.memory_space<hbm>>
      %dma_start3A_234 = arith.constant 0 : i32
      %dma_start3A_235 = arith.constant 0 : i32
      %dma_start3A_236 = tpu.memref_slice %arg5[%add3A_229, %dma_start3A_234, %dma_start3A_235] : memref<4096x50x300xf32, #tpu.memory_space<hbm>> -> memref<1x50x300xf32, #tpu.memory_space<hbm>>
      %dma_start3A_237 = tpu.memref_squeeze %dma_start3A_236 : memref<1x50x300xf32, #tpu.memory_space<hbm>> -> memref<50x300xf32, #tpu.memory_space<hbm>>
      tpu.enqueue_dma source(%arg8 : memref<50x300xf32, #tpu.memory_space<vmem>>) target(%dma_start3A_237 : memref<50x300xf32, #tpu.memory_space<hbm>>) target_semaphore(%arg28 : memref<!tpu.dma_semaphore, #tpu.memory_space<semaphore_mem>>)
      %add3A_238 = arith.constant 4 : i32
      %add3A_239 = arith.addi %add3A_197, %add3A_238 : i32
      %sub3A_240 = arith.constant 1 : i32
      %sub3A_241 = arith.subi %add3A_239, %sub3A_240 : i32
      %lt3A_242 = arith.constant 128 : i32
      %lt3A_243 = arith.cmpi slt, %sub3A_241, %lt3A_242 : i32
      %convert_element_type3A_244 = arith.extui %lt3A_243 : i1 to i32
      %cond3A_245 = arith.constant 0 : i32
      %cond3A_246 = arith.cmpi ne, %convert_element_type3A_244, %cond3A_245 : i32
      scf.if %cond3A_246 {
        %ge3A = arith.constant 1 : i32
        %ge3A_349 = arith.cmpi sge, %add3A_197, %ge3A : i32
        %convert_element_type3A_350 = arith.extui %ge3A_349 : i1 to i32
        %cond3A_351 = arith.constant 0 : i32
        %cond3A_352 = arith.cmpi ne, %convert_element_type3A_350, %cond3A_351 : i32
        scf.if %cond3A_352 {
          %add3A_379 = arith.addi %mul3A_2, %add3A_197 : i32
          %sub3A_380 = arith.constant 1 : i32
          %sub3A_381 = arith.subi %add3A_379, %sub3A_380 : i32
          %dma_wait3A_382 = arith.constant 0 : i32
          %dma_wait3A_383 = arith.constant 0 : i32
          %dma_wait3A_384 = tpu.memref_slice %arg5[%sub3A_381, %dma_wait3A_382, %dma_wait3A_383] : memref<4096x50x300xf32, #tpu.memory_space<hbm>> -> memref<1x50x300xf32, #tpu.memory_space<hbm>>
          %dma_wait3A_385 = tpu.memref_squeeze %dma_wait3A_384 : memref<1x50x300xf32, #tpu.memory_space<hbm>> -> memref<50x300xf32, #tpu.memory_space<hbm>>
          %dma_wait3A_386 = arith.constant 0 : i32
          %dma_wait3A_387 = arith.constant 0 : i32
          %dma_wait3A_388 = tpu.memref_slice %arg5[%sub3A_381, %dma_wait3A_386, %dma_wait3A_387] : memref<4096x50x300xf32, #tpu.memory_space<hbm>> -> memref<1x50x300xf32, #tpu.memory_space<hbm>>
          %dma_wait3A_389 = tpu.memref_squeeze %dma_wait3A_388 : memref<1x50x300xf32, #tpu.memory_space<hbm>> -> memref<50x300xf32, #tpu.memory_space<hbm>>
          tpu.wait_dma2 semaphore(%arg27 : memref<!tpu.dma_semaphore, #tpu.memory_space<semaphore_mem>>) src(%arg7 : memref<50x300xf32, #tpu.memory_space<vmem>>) dst(%dma_wait3A_389 : memref<50x300xf32, #tpu.memory_space<hbm>>)
        } else {
        }
        %mul3A_353 = arith.constant 56 : i32
        %mul3A_354 = arith.muli %sub3A_241, %mul3A_353 : i32
        %dma_start3A_355 = arith.constant 0 : i32
        %dma_start3A_356 = arith.constant 0 : i32
        %dma_start3A_357 = tpu.memref_slice %arg7[%dma_start3A_355, %dma_start3A_356] : memref<50x300xf32, #tpu.memory_space<vmem>> -> memref<50x128xf32, #tpu.memory_space<vmem>>
        %dma_start3A_358 = tpu.memref_slice %arg6[%mul3A_354] : memref<7168xi32, #tpu.memory_space<vmem>> -> memref<50xi32, #tpu.memory_space<vmem>>
        %dma_start3A_359 = arith.constant 0 : i32
        %dma_start3A_360 = arith.constant 0 : i32
        %dma_start3A_361 = tpu.memref_slice %arg2[%dma_start3A_359, %dma_start3A_360] : memref<100000x300xf32, #tpu.memory_space<hbm>> -> memref<100000x128xf32, #tpu.memory_space<hbm>>
        %dma_start3A_362 = arith.constant 0 : i32
        %dma_start3A_363 = arith.constant 0 : i32
        %dma_start3A_364 = tpu.memref_slice %dma_start3A_361[%dma_start3A_362, %dma_start3A_363] : memref<100000x128xf32, #tpu.memory_space<hbm>> -> memref<100000x128xf32, #tpu.memory_space<hbm>>
        tpu.enqueue_indirect_dma source(%dma_start3A_364 : memref<100000x128xf32, #tpu.memory_space<hbm>>) target(%dma_start3A_357 : memref<50x128xf32, #tpu.memory_space<vmem>>) offsets(%dma_start3A_358 : memref<50xi32, #tpu.memory_space<vmem>>) semaphore(%arg15 : memref<!tpu.dma_semaphore, #tpu.memory_space<semaphore_mem>>)
        %dma_start3A_365 = arith.constant 0 : i32
        %dma_start3A_366 = arith.constant 128 : i32
        %dma_start3A_367 = tpu.memref_slice %arg7[%dma_start3A_365, %dma_start3A_366] : memref<50x300xf32, #tpu.memory_space<vmem>> -> memref<50x128xf32, #tpu.memory_space<vmem>>
        %dma_start3A_368 = tpu.memref_slice %arg6[%mul3A_354] : memref<7168xi32, #tpu.memory_space<vmem>> -> memref<50xi32, #tpu.memory_space<vmem>>
        %dma_start3A_369 = arith.constant 0 : i32
        %dma_start3A_370 = arith.constant 128 : i32
        %dma_start3A_371 = tpu.memref_slice %arg2[%dma_start3A_369, %dma_start3A_370] : memref<100000x300xf32, #tpu.memory_space<hbm>> -> memref<100000x128xf32, #tpu.memory_space<hbm>>
        %dma_start3A_372 = arith.constant 0 : i32
        %dma_start3A_373 = arith.constant 0 : i32
        %dma_start3A_374 = tpu.memref_slice %dma_start3A_371[%dma_start3A_372, %dma_start3A_373] : memref<100000x128xf32, #tpu.memory_space<hbm>> -> memref<100000x128xf32, #tpu.memory_space<hbm>>
        tpu.enqueue_indirect_dma source(%dma_start3A_374 : memref<100000x128xf32, #tpu.memory_space<hbm>>) target(%dma_start3A_367 : memref<50x128xf32, #tpu.memory_space<vmem>>) offsets(%dma_start3A_368 : memref<50xi32, #tpu.memory_space<vmem>>) semaphore(%arg19 : memref<!tpu.dma_semaphore, #tpu.memory_space<semaphore_mem>>)
        %dma_start3A_375 = tpu.memref_slice %arg6[%mul3A_354] : memref<7168xi32, #tpu.memory_space<vmem>> -> memref<50xi32, #tpu.memory_space<vmem>>
        %dma_start3A_376 = arith.constant 0 : i32
        %dma_start3A_377 = arith.constant 0 : i32
        %dma_start3A_378 = tpu.memref_slice %arg3[%dma_start3A_376, %dma_start3A_377] : memref<100000x128xf32, #tpu.memory_space<hbm>> -> memref<100000x128xf32, #tpu.memory_space<hbm>>
        tpu.enqueue_indirect_dma source(%dma_start3A_378 : memref<100000x128xf32, #tpu.memory_space<hbm>>) target(%arg11 : memref<50x128xf32, #tpu.memory_space<vmem>>) offsets(%dma_start3A_375 : memref<50xi32, #tpu.memory_space<vmem>>) semaphore(%arg23 : memref<!tpu.dma_semaphore, #tpu.memory_space<semaphore_mem>>)
      } else {
      }
      %add3A_247 = arith.constant 2 : i32
      %add3A_248 = arith.addi %mul3A_147, %add3A_247 : i32
      %mul3A_249 = arith.constant 56 : i32
      %mul3A_250 = arith.muli %add3A_248, %mul3A_249 : i32
      %dma_wait3A_251 = arith.constant 0 : i32
      %dma_wait3A_252 = arith.constant 0 : i32
      %dma_wait3A_253 = tpu.memref_slice %arg9[%dma_wait3A_251, %dma_wait3A_252] : memref<50x300xf32, #tpu.memory_space<vmem>> -> memref<50x128xf32, #tpu.memory_space<vmem>>
      %dma_wait3A_254 = tpu.memref_slice %arg6[%mul3A_250] : memref<7168xi32, #tpu.memory_space<vmem>> -> memref<50xi32, #tpu.memory_space<vmem>>
      %dma_wait3A_255 = arith.constant 0 : i32
      %dma_wait3A_256 = arith.constant 0 : i32
      %dma_wait3A_257 = tpu.memref_slice %arg2[%dma_wait3A_255, %dma_wait3A_256] : memref<100000x300xf32, #tpu.memory_space<hbm>> -> memref<100000x128xf32, #tpu.memory_space<hbm>>
      %dma_wait3A_258 = arith.constant 0 : i32
      %dma_wait3A_259 = arith.constant 0 : i32
      %dma_wait3A_260 = tpu.memref_slice %dma_wait3A_257[%dma_wait3A_258, %dma_wait3A_259] : memref<100000x128xf32, #tpu.memory_space<hbm>> -> memref<100000x128xf32, #tpu.memory_space<hbm>>
      tpu.wait_indirect_dma semaphore(%arg17 : memref<!tpu.dma_semaphore, #tpu.memory_space<semaphore_mem>>) src(%dma_wait3A_260 : memref<100000x128xf32, #tpu.memory_space<hbm>>) dst(%dma_wait3A_253 : memref<50x128xf32, #tpu.memory_space<vmem>>)
      %dma_wait3A_261 = arith.constant 0 : i32
      %dma_wait3A_262 = arith.constant 128 : i32
      %dma_wait3A_263 = tpu.memref_slice %arg9[%dma_wait3A_261, %dma_wait3A_262] : memref<50x300xf32, #tpu.memory_space<vmem>> -> memref<50x128xf32, #tpu.memory_space<vmem>>
      %dma_wait3A_264 = tpu.memref_slice %arg6[%mul3A_250] : memref<7168xi32, #tpu.memory_space<vmem>> -> memref<50xi32, #tpu.memory_space<vmem>>
      %dma_wait3A_265 = arith.constant 0 : i32
      %dma_wait3A_266 = arith.constant 128 : i32
      %dma_wait3A_267 = tpu.memref_slice %arg2[%dma_wait3A_265, %dma_wait3A_266] : memref<100000x300xf32, #tpu.memory_space<hbm>> -> memref<100000x128xf32, #tpu.memory_space<hbm>>
      %dma_wait3A_268 = arith.constant 0 : i32
      %dma_wait3A_269 = arith.constant 0 : i32
      %dma_wait3A_270 = tpu.memref_slice %dma_wait3A_267[%dma_wait3A_268, %dma_wait3A_269] : memref<100000x128xf32, #tpu.memory_space<hbm>> -> memref<100000x128xf32, #tpu.memory_space<hbm>>
      tpu.wait_indirect_dma semaphore(%arg21 : memref<!tpu.dma_semaphore, #tpu.memory_space<semaphore_mem>>) src(%dma_wait3A_270 : memref<100000x128xf32, #tpu.memory_space<hbm>>) dst(%dma_wait3A_263 : memref<50x128xf32, #tpu.memory_space<vmem>>)
      %dma_wait3A_271 = tpu.memref_slice %arg6[%mul3A_250] : memref<7168xi32, #tpu.memory_space<vmem>> -> memref<50xi32, #tpu.memory_space<vmem>>
      %dma_wait3A_272 = arith.constant 0 : i32
      %dma_wait3A_273 = arith.constant 0 : i32
      %dma_wait3A_274 = tpu.memref_slice %arg3[%dma_wait3A_272, %dma_wait3A_273] : memref<100000x128xf32, #tpu.memory_space<hbm>> -> memref<100000x128xf32, #tpu.memory_space<hbm>>
      tpu.wait_indirect_dma semaphore(%arg25 : memref<!tpu.dma_semaphore, #tpu.memory_space<semaphore_mem>>) src(%dma_wait3A_274 : memref<100000x128xf32, #tpu.memory_space<hbm>>) dst(%arg13 : memref<50x128xf32, #tpu.memory_space<vmem>>)
      %scan3A_275 = arith.constant 0 : i32
      %scan3A_276 = arith.constant 50 : i32
      %scan3A_277 = arith.addi %scan3A_275, %scan3A_276 : i32
      %scan3A_278 = arith.constant 1 : i32
      scf.for %scan3A_349 = %scan3A_275 to %scan3A_277 step %scan3A_278  : i32 {
        %mul3A_350 = arith.constant 1 : i32
        %mul3A_351 = arith.muli %scan3A_349, %mul3A_350 : i32
        %add3A_352 = arith.constant 0 : i32
        %add3A_353 = arith.addi %add3A_352, %mul3A_351 : i32
        %get3A = arith.index_cast %add3A_353 : i32 to index
        %get3A_354 = arith.constant 0 : index
        %get3A_355 = tpu.vector_load %arg13[%get3A, %get3A_354] {strides = array<i32>} : memref<50x128xf32, #tpu.memory_space<vmem>>, vector<16xf32>,
        %swap3A = arith.index_cast %add3A_353 : i32 to index
        %swap3A_356 = arith.constant 256 : index
        %swap3A_357 = tpu.vector_load %arg9[%swap3A, %swap3A_356] {strides = array<i32>} : memref<50x300xf32, #tpu.memory_space<vmem>>, vector<16xf32>,
        tpu.vector_store %arg9[%swap3A, %swap3A_356], %get3A_355 {strides = array<i32>} : memref<50x300xf32, #tpu.memory_space<vmem>>, vector<16xf32>,
        %get3A_358 = arith.index_cast %add3A_353 : i32 to index
        %get3A_359 = arith.constant 16 : index
        %get3A_360 = tpu.vector_load %arg13[%get3A_358, %get3A_359] {strides = array<i32>} : memref<50x128xf32, #tpu.memory_space<vmem>>, vector<16xf32>,
        %swap3A_361 = arith.index_cast %add3A_353 : i32 to index
        %swap3A_362 = arith.constant 272 : index
        %swap3A_363 = tpu.vector_load %arg9[%swap3A_361, %swap3A_362] {strides = array<i32>} : memref<50x300xf32, #tpu.memory_space<vmem>>, vector<16xf32>,
        tpu.vector_store %arg9[%swap3A_361, %swap3A_362], %get3A_360 {strides = array<i32>} : memref<50x300xf32, #tpu.memory_space<vmem>>, vector<16xf32>,
        %get3A_364 = arith.index_cast %add3A_353 : i32 to index
        %get3A_365 = arith.constant 32 : index
        %get3A_366 = tpu.vector_load %arg13[%get3A_364, %get3A_365] {strides = array<i32>} : memref<50x128xf32, #tpu.memory_space<vmem>>, vector<16xf32>,
        %iota3A = tpu.iota {dimensions = array<i32: 0>} : vector<16xi32>
        %add3A_367 = arith.constant 288 : i32
        %add3A_368 = vector.broadcast %add3A_367 : i32 to vector<16xi32>
        %add3A_369 = arith.addi %iota3A, %add3A_368 : vector<16xi32>
        %broadcast_in_dim3A = vector.broadcast %add3A_353 : i32 to vector<16xi32>
        %lt3A_370 = arith.constant 300 : i32
        %lt3A_371 = vector.broadcast %lt3A_370 : i32 to vector<16xi32>
        %lt3A_372 = arith.cmpi slt, %add3A_369, %lt3A_371 : vector<16xi32>
        tpu.vector_store_idx %arg9[%broadcast_in_dim3A, %add3A_369], %get3A_366 masked %lt3A_372 : memref<50x300xf32, #tpu.memory_space<vmem>>[vector<16xi32>, vector<16xi32>], vector<16xf32>, vector<16xi1>
      }
      %scan3A_279 = arith.constant 50 : i32
      %add3A_280 = arith.addi %mul3A_2, %add3A_248 : i32
      %dma_start3A_281 = arith.constant 0 : i32
      %dma_start3A_282 = arith.constant 0 : i32
      %dma_start3A_283 = tpu.memref_slice %arg5[%add3A_280, %dma_start3A_281, %dma_start3A_282] : memref<4096x50x300xf32, #tpu.memory_space<hbm>> -> memref<1x50x300xf32, #tpu.memory_space<hbm>>
      %dma_start3A_284 = tpu.memref_squeeze %dma_start3A_283 : memref<1x50x300xf32, #tpu.memory_space<hbm>> -> memref<50x300xf32, #tpu.memory_space<hbm>>
      %dma_start3A_285 = arith.constant 0 : i32
      %dma_start3A_286 = arith.constant 0 : i32
      %dma_start3A_287 = tpu.memref_slice %arg5[%add3A_280, %dma_start3A_285, %dma_start3A_286] : memref<4096x50x300xf32, #tpu.memory_space<hbm>> -> memref<1x50x300xf32, #tpu.memory_space<hbm>>
      %dma_start3A_288 = tpu.memref_squeeze %dma_start3A_287 : memref<1x50x300xf32, #tpu.memory_space<hbm>> -> memref<50x300xf32, #tpu.memory_space<hbm>>
      tpu.enqueue_dma source(%arg9 : memref<50x300xf32, #tpu.memory_space<vmem>>) target(%dma_start3A_288 : memref<50x300xf32, #tpu.memory_space<hbm>>) target_semaphore(%arg29 : memref<!tpu.dma_semaphore, #tpu.memory_space<semaphore_mem>>)
      %add3A_289 = arith.constant 4 : i32
      %add3A_290 = arith.addi %add3A_248, %add3A_289 : i32
      %sub3A_291 = arith.constant 1 : i32
      %sub3A_292 = arith.subi %add3A_290, %sub3A_291 : i32
      %lt3A_293 = arith.constant 128 : i32
      %lt3A_294 = arith.cmpi slt, %sub3A_292, %lt3A_293 : i32
      %convert_element_type3A_295 = arith.extui %lt3A_294 : i1 to i32
      %cond3A_296 = arith.constant 0 : i32
      %cond3A_297 = arith.cmpi ne, %convert_element_type3A_295, %cond3A_296 : i32
      scf.if %cond3A_297 {
        %ge3A = arith.constant 1 : i32
        %ge3A_349 = arith.cmpi sge, %add3A_248, %ge3A : i32
        %convert_element_type3A_350 = arith.extui %ge3A_349 : i1 to i32
        %cond3A_351 = arith.constant 0 : i32
        %cond3A_352 = arith.cmpi ne, %convert_element_type3A_350, %cond3A_351 : i32
        scf.if %cond3A_352 {
          %add3A_379 = arith.addi %mul3A_2, %add3A_248 : i32
          %sub3A_380 = arith.constant 1 : i32
          %sub3A_381 = arith.subi %add3A_379, %sub3A_380 : i32
          %dma_wait3A_382 = arith.constant 0 : i32
          %dma_wait3A_383 = arith.constant 0 : i32
          %dma_wait3A_384 = tpu.memref_slice %arg5[%sub3A_381, %dma_wait3A_382, %dma_wait3A_383] : memref<4096x50x300xf32, #tpu.memory_space<hbm>> -> memref<1x50x300xf32, #tpu.memory_space<hbm>>
          %dma_wait3A_385 = tpu.memref_squeeze %dma_wait3A_384 : memref<1x50x300xf32, #tpu.memory_space<hbm>> -> memref<50x300xf32, #tpu.memory_space<hbm>>
          %dma_wait3A_386 = arith.constant 0 : i32
          %dma_wait3A_387 = arith.constant 0 : i32
          %dma_wait3A_388 = tpu.memref_slice %arg5[%sub3A_381, %dma_wait3A_386, %dma_wait3A_387] : memref<4096x50x300xf32, #tpu.memory_space<hbm>> -> memref<1x50x300xf32, #tpu.memory_space<hbm>>
          %dma_wait3A_389 = tpu.memref_squeeze %dma_wait3A_388 : memref<1x50x300xf32, #tpu.memory_space<hbm>> -> memref<50x300xf32, #tpu.memory_space<hbm>>
          tpu.wait_dma2 semaphore(%arg28 : memref<!tpu.dma_semaphore, #tpu.memory_space<semaphore_mem>>) src(%arg8 : memref<50x300xf32, #tpu.memory_space<vmem>>) dst(%dma_wait3A_389 : memref<50x300xf32, #tpu.memory_space<hbm>>)
        } else {
        }
        %mul3A_353 = arith.constant 56 : i32
        %mul3A_354 = arith.muli %sub3A_292, %mul3A_353 : i32
        %dma_start3A_355 = arith.constant 0 : i32
        %dma_start3A_356 = arith.constant 0 : i32
        %dma_start3A_357 = tpu.memref_slice %arg8[%dma_start3A_355, %dma_start3A_356] : memref<50x300xf32, #tpu.memory_space<vmem>> -> memref<50x128xf32, #tpu.memory_space<vmem>>
        %dma_start3A_358 = tpu.memref_slice %arg6[%mul3A_354] : memref<7168xi32, #tpu.memory_space<vmem>> -> memref<50xi32, #tpu.memory_space<vmem>>
        %dma_start3A_359 = arith.constant 0 : i32
        %dma_start3A_360 = arith.constant 0 : i32
        %dma_start3A_361 = tpu.memref_slice %arg2[%dma_start3A_359, %dma_start3A_360] : memref<100000x300xf32, #tpu.memory_space<hbm>> -> memref<100000x128xf32, #tpu.memory_space<hbm>>
        %dma_start3A_362 = arith.constant 0 : i32
        %dma_start3A_363 = arith.constant 0 : i32
        %dma_start3A_364 = tpu.memref_slice %dma_start3A_361[%dma_start3A_362, %dma_start3A_363] : memref<100000x128xf32, #tpu.memory_space<hbm>> -> memref<100000x128xf32, #tpu.memory_space<hbm>>
        tpu.enqueue_indirect_dma source(%dma_start3A_364 : memref<100000x128xf32, #tpu.memory_space<hbm>>) target(%dma_start3A_357 : memref<50x128xf32, #tpu.memory_space<vmem>>) offsets(%dma_start3A_358 : memref<50xi32, #tpu.memory_space<vmem>>) semaphore(%arg16 : memref<!tpu.dma_semaphore, #tpu.memory_space<semaphore_mem>>)
        %dma_start3A_365 = arith.constant 0 : i32
        %dma_start3A_366 = arith.constant 128 : i32
        %dma_start3A_367 = tpu.memref_slice %arg8[%dma_start3A_365, %dma_start3A_366] : memref<50x300xf32, #tpu.memory_space<vmem>> -> memref<50x128xf32, #tpu.memory_space<vmem>>
        %dma_start3A_368 = tpu.memref_slice %arg6[%mul3A_354] : memref<7168xi32, #tpu.memory_space<vmem>> -> memref<50xi32, #tpu.memory_space<vmem>>
        %dma_start3A_369 = arith.constant 0 : i32
        %dma_start3A_370 = arith.constant 128 : i32
        %dma_start3A_371 = tpu.memref_slice %arg2[%dma_start3A_369, %dma_start3A_370] : memref<100000x300xf32, #tpu.memory_space<hbm>> -> memref<100000x128xf32, #tpu.memory_space<hbm>>
        %dma_start3A_372 = arith.constant 0 : i32
        %dma_start3A_373 = arith.constant 0 : i32
        %dma_start3A_374 = tpu.memref_slice %dma_start3A_371[%dma_start3A_372, %dma_start3A_373] : memref<100000x128xf32, #tpu.memory_space<hbm>> -> memref<100000x128xf32, #tpu.memory_space<hbm>>
        tpu.enqueue_indirect_dma source(%dma_start3A_374 : memref<100000x128xf32, #tpu.memory_space<hbm>>) target(%dma_start3A_367 : memref<50x128xf32, #tpu.memory_space<vmem>>) offsets(%dma_start3A_368 : memref<50xi32, #tpu.memory_space<vmem>>) semaphore(%arg20 : memref<!tpu.dma_semaphore, #tpu.memory_space<semaphore_mem>>)
        %dma_start3A_375 = tpu.memref_slice %arg6[%mul3A_354] : memref<7168xi32, #tpu.memory_space<vmem>> -> memref<50xi32, #tpu.memory_space<vmem>>
        %dma_start3A_376 = arith.constant 0 : i32
        %dma_start3A_377 = arith.constant 0 : i32
        %dma_start3A_378 = tpu.memref_slice %arg3[%dma_start3A_376, %dma_start3A_377] : memref<100000x128xf32, #tpu.memory_space<hbm>> -> memref<100000x128xf32, #tpu.memory_space<hbm>>
        tpu.enqueue_indirect_dma source(%dma_start3A_378 : memref<100000x128xf32, #tpu.memory_space<hbm>>) target(%arg12 : memref<50x128xf32, #tpu.memory_space<vmem>>) offsets(%dma_start3A_375 : memref<50xi32, #tpu.memory_space<vmem>>) semaphore(%arg24 : memref<!tpu.dma_semaphore, #tpu.memory_space<semaphore_mem>>)
      } else {
      }
      %add3A_298 = arith.constant 3 : i32
      %add3A_299 = arith.addi %mul3A_147, %add3A_298 : i32
      %mul3A_300 = arith.constant 56 : i32
      %mul3A_301 = arith.muli %add3A_299, %mul3A_300 : i32
      %dma_wait3A_302 = arith.constant 0 : i32
      %dma_wait3A_303 = arith.constant 0 : i32
      %dma_wait3A_304 = tpu.memref_slice %arg10[%dma_wait3A_302, %dma_wait3A_303] : memref<50x300xf32, #tpu.memory_space<vmem>> -> memref<50x128xf32, #tpu.memory_space<vmem>>
      %dma_wait3A_305 = tpu.memref_slice %arg6[%mul3A_301] : memref<7168xi32, #tpu.memory_space<vmem>> -> memref<50xi32, #tpu.memory_space<vmem>>
      %dma_wait3A_306 = arith.constant 0 : i32
      %dma_wait3A_307 = arith.constant 0 : i32
      %dma_wait3A_308 = tpu.memref_slice %arg2[%dma_wait3A_306, %dma_wait3A_307] : memref<100000x300xf32, #tpu.memory_space<hbm>> -> memref<100000x128xf32, #tpu.memory_space<hbm>>
      %dma_wait3A_309 = arith.constant 0 : i32
      %dma_wait3A_310 = arith.constant 0 : i32
      %dma_wait3A_311 = tpu.memref_slice %dma_wait3A_308[%dma_wait3A_309, %dma_wait3A_310] : memref<100000x128xf32, #tpu.memory_space<hbm>> -> memref<100000x128xf32, #tpu.memory_space<hbm>>
      tpu.wait_indirect_dma semaphore(%arg18 : memref<!tpu.dma_semaphore, #tpu.memory_space<semaphore_mem>>) src(%dma_wait3A_311 : memref<100000x128xf32, #tpu.memory_space<hbm>>) dst(%dma_wait3A_304 : memref<50x128xf32, #tpu.memory_space<vmem>>)
      %dma_wait3A_312 = arith.constant 0 : i32
      %dma_wait3A_313 = arith.constant 128 : i32
      %dma_wait3A_314 = tpu.memref_slice %arg10[%dma_wait3A_312, %dma_wait3A_313] : memref<50x300xf32, #tpu.memory_space<vmem>> -> memref<50x128xf32, #tpu.memory_space<vmem>>
      %dma_wait3A_315 = tpu.memref_slice %arg6[%mul3A_301] : memref<7168xi32, #tpu.memory_space<vmem>> -> memref<50xi32, #tpu.memory_space<vmem>>
      %dma_wait3A_316 = arith.constant 0 : i32
      %dma_wait3A_317 = arith.constant 128 : i32
      %dma_wait3A_318 = tpu.memref_slice %arg2[%dma_wait3A_316, %dma_wait3A_317] : memref<100000x300xf32, #tpu.memory_space<hbm>> -> memref<100000x128xf32, #tpu.memory_space<hbm>>
      %dma_wait3A_319 = arith.constant 0 : i32
      %dma_wait3A_320 = arith.constant 0 : i32
      %dma_wait3A_321 = tpu.memref_slice %dma_wait3A_318[%dma_wait3A_319, %dma_wait3A_320] : memref<100000x128xf32, #tpu.memory_space<hbm>> -> memref<100000x128xf32, #tpu.memory_space<hbm>>
      tpu.wait_indirect_dma semaphore(%arg22 : memref<!tpu.dma_semaphore, #tpu.memory_space<semaphore_mem>>) src(%dma_wait3A_321 : memref<100000x128xf32, #tpu.memory_space<hbm>>) dst(%dma_wait3A_314 : memref<50x128xf32, #tpu.memory_space<vmem>>)
      %dma_wait3A_322 = tpu.memref_slice %arg6[%mul3A_301] : memref<7168xi32, #tpu.memory_space<vmem>> -> memref<50xi32, #tpu.memory_space<vmem>>
      %dma_wait3A_323 = arith.constant 0 : i32
      %dma_wait3A_324 = arith.constant 0 : i32
      %dma_wait3A_325 = tpu.memref_slice %arg3[%dma_wait3A_323, %dma_wait3A_324] : memref<100000x128xf32, #tpu.memory_space<hbm>> -> memref<100000x128xf32, #tpu.memory_space<hbm>>
      tpu.wait_indirect_dma semaphore(%arg26 : memref<!tpu.dma_semaphore, #tpu.memory_space<semaphore_mem>>) src(%dma_wait3A_325 : memref<100000x128xf32, #tpu.memory_space<hbm>>) dst(%arg14 : memref<50x128xf32, #tpu.memory_space<vmem>>)
      %scan3A_326 = arith.constant 0 : i32
      %scan3A_327 = arith.constant 50 : i32
      %scan3A_328 = arith.addi %scan3A_326, %scan3A_327 : i32
      %scan3A_329 = arith.constant 1 : i32
      scf.for %scan3A_349 = %scan3A_326 to %scan3A_328 step %scan3A_329  : i32 {
        %mul3A_350 = arith.constant 1 : i32
        %mul3A_351 = arith.muli %scan3A_349, %mul3A_350 : i32
        %add3A_352 = arith.constant 0 : i32
        %add3A_353 = arith.addi %add3A_352, %mul3A_351 : i32
        %get3A = arith.index_cast %add3A_353 : i32 to index
        %get3A_354 = arith.constant 0 : index
        %get3A_355 = tpu.vector_load %arg14[%get3A, %get3A_354] {strides = array<i32>} : memref<50x128xf32, #tpu.memory_space<vmem>>, vector<16xf32>,
        %swap3A = arith.index_cast %add3A_353 : i32 to index
        %swap3A_356 = arith.constant 256 : index
        %swap3A_357 = tpu.vector_load %arg10[%swap3A, %swap3A_356] {strides = array<i32>} : memref<50x300xf32, #tpu.memory_space<vmem>>, vector<16xf32>,
        tpu.vector_store %arg10[%swap3A, %swap3A_356], %get3A_355 {strides = array<i32>} : memref<50x300xf32, #tpu.memory_space<vmem>>, vector<16xf32>,
        %get3A_358 = arith.index_cast %add3A_353 : i32 to index
        %get3A_359 = arith.constant 16 : index
        %get3A_360 = tpu.vector_load %arg14[%get3A_358, %get3A_359] {strides = array<i32>} : memref<50x128xf32, #tpu.memory_space<vmem>>, vector<16xf32>,
        %swap3A_361 = arith.index_cast %add3A_353 : i32 to index
        %swap3A_362 = arith.constant 272 : index
        %swap3A_363 = tpu.vector_load %arg10[%swap3A_361, %swap3A_362] {strides = array<i32>} : memref<50x300xf32, #tpu.memory_space<vmem>>, vector<16xf32>,
        tpu.vector_store %arg10[%swap3A_361, %swap3A_362], %get3A_360 {strides = array<i32>} : memref<50x300xf32, #tpu.memory_space<vmem>>, vector<16xf32>,
        %get3A_364 = arith.index_cast %add3A_353 : i32 to index
        %get3A_365 = arith.constant 32 : index
        %get3A_366 = tpu.vector_load %arg14[%get3A_364, %get3A_365] {strides = array<i32>} : memref<50x128xf32, #tpu.memory_space<vmem>>, vector<16xf32>,
        %iota3A = tpu.iota {dimensions = array<i32: 0>} : vector<16xi32>
        %add3A_367 = arith.constant 288 : i32
        %add3A_368 = vector.broadcast %add3A_367 : i32 to vector<16xi32>
        %add3A_369 = arith.addi %iota3A, %add3A_368 : vector<16xi32>
        %broadcast_in_dim3A = vector.broadcast %add3A_353 : i32 to vector<16xi32>
        %lt3A_370 = arith.constant 300 : i32
        %lt3A_371 = vector.broadcast %lt3A_370 : i32 to vector<16xi32>
        %lt3A_372 = arith.cmpi slt, %add3A_369, %lt3A_371 : vector<16xi32>
        tpu.vector_store_idx %arg10[%broadcast_in_dim3A, %add3A_369], %get3A_366 masked %lt3A_372 : memref<50x300xf32, #tpu.memory_space<vmem>>[vector<16xi32>, vector<16xi32>], vector<16xf32>, vector<16xi1>
      }
      %scan3A_330 = arith.constant 50 : i32
      %add3A_331 = arith.addi %mul3A_2, %add3A_299 : i32
      %dma_start3A_332 = arith.constant 0 : i32
      %dma_start3A_333 = arith.constant 0 : i32
      %dma_start3A_334 = tpu.memref_slice %arg5[%add3A_331, %dma_start3A_332, %dma_start3A_333] : memref<4096x50x300xf32, #tpu.memory_space<hbm>> -> memref<1x50x300xf32, #tpu.memory_space<hbm>>
      %dma_start3A_335 = tpu.memref_squeeze %dma_start3A_334 : memref<1x50x300xf32, #tpu.memory_space<hbm>> -> memref<50x300xf32, #tpu.memory_space<hbm>>
      %dma_start3A_336 = arith.constant 0 : i32
      %dma_start3A_337 = arith.constant 0 : i32
      %dma_start3A_338 = tpu.memref_slice %arg5[%add3A_331, %dma_start3A_336, %dma_start3A_337] : memref<4096x50x300xf32, #tpu.memory_space<hbm>> -> memref<1x50x300xf32, #tpu.memory_space<hbm>>
      %dma_start3A_339 = tpu.memref_squeeze %dma_start3A_338 : memref<1x50x300xf32, #tpu.memory_space<hbm>> -> memref<50x300xf32, #tpu.memory_space<hbm>>
      tpu.enqueue_dma source(%arg10 : memref<50x300xf32, #tpu.memory_space<vmem>>) target(%dma_start3A_339 : memref<50x300xf32, #tpu.memory_space<hbm>>) target_semaphore(%arg30 : memref<!tpu.dma_semaphore, #tpu.memory_space<semaphore_mem>>)
      %add3A_340 = arith.constant 4 : i32
      %add3A_341 = arith.addi %add3A_299, %add3A_340 : i32
      %sub3A_342 = arith.constant 1 : i32
      %sub3A_343 = arith.subi %add3A_341, %sub3A_342 : i32
      %lt3A_344 = arith.constant 128 : i32
      %lt3A_345 = arith.cmpi slt, %sub3A_343, %lt3A_344 : i32
      %convert_element_type3A_346 = arith.extui %lt3A_345 : i1 to i32
      %cond3A_347 = arith.constant 0 : i32
      %cond3A_348 = arith.cmpi ne, %convert_element_type3A_346, %cond3A_347 : i32
      scf.if %cond3A_348 {
        %ge3A = arith.constant 1 : i32
        %ge3A_349 = arith.cmpi sge, %add3A_299, %ge3A : i32
        %convert_element_type3A_350 = arith.extui %ge3A_349 : i1 to i32
        %cond3A_351 = arith.constant 0 : i32
        %cond3A_352 = arith.cmpi ne, %convert_element_type3A_350, %cond3A_351 : i32
        scf.if %cond3A_352 {
          %add3A_379 = arith.addi %mul3A_2, %add3A_299 : i32
          %sub3A_380 = arith.constant 1 : i32
          %sub3A_381 = arith.subi %add3A_379, %sub3A_380 : i32
          %dma_wait3A_382 = arith.constant 0 : i32
          %dma_wait3A_383 = arith.constant 0 : i32
          %dma_wait3A_384 = tpu.memref_slice %arg5[%sub3A_381, %dma_wait3A_382, %dma_wait3A_383] : memref<4096x50x300xf32, #tpu.memory_space<hbm>> -> memref<1x50x300xf32, #tpu.memory_space<hbm>>
          %dma_wait3A_385 = tpu.memref_squeeze %dma_wait3A_384 : memref<1x50x300xf32, #tpu.memory_space<hbm>> -> memref<50x300xf32, #tpu.memory_space<hbm>>
          %dma_wait3A_386 = arith.constant 0 : i32
          %dma_wait3A_387 = arith.constant 0 : i32
          %dma_wait3A_388 = tpu.memref_slice %arg5[%sub3A_381, %dma_wait3A_386, %dma_wait3A_387] : memref<4096x50x300xf32, #tpu.memory_space<hbm>> -> memref<1x50x300xf32, #tpu.memory_space<hbm>>
          %dma_wait3A_389 = tpu.memref_squeeze %dma_wait3A_388 : memref<1x50x300xf32, #tpu.memory_space<hbm>> -> memref<50x300xf32, #tpu.memory_space<hbm>>
          tpu.wait_dma2 semaphore(%arg29 : memref<!tpu.dma_semaphore, #tpu.memory_space<semaphore_mem>>) src(%arg9 : memref<50x300xf32, #tpu.memory_space<vmem>>) dst(%dma_wait3A_389 : memref<50x300xf32, #tpu.memory_space<hbm>>)
        } else {
        }
        %mul3A_353 = arith.constant 56 : i32
        %mul3A_354 = arith.muli %sub3A_343, %mul3A_353 : i32
        %dma_start3A_355 = arith.constant 0 : i32
        %dma_start3A_356 = arith.constant 0 : i32
        %dma_start3A_357 = tpu.memref_slice %arg9[%dma_start3A_355, %dma_start3A_356] : memref<50x300xf32, #tpu.memory_space<vmem>> -> memref<50x128xf32, #tpu.memory_space<vmem>>
        %dma_start3A_358 = tpu.memref_slice %arg6[%mul3A_354] : memref<7168xi32, #tpu.memory_space<vmem>> -> memref<50xi32, #tpu.memory_space<vmem>>
        %dma_start3A_359 = arith.constant 0 : i32
        %dma_start3A_360 = arith.constant 0 : i32
        %dma_start3A_361 = tpu.memref_slice %arg2[%dma_start3A_359, %dma_start3A_360] : memref<100000x300xf32, #tpu.memory_space<hbm>> -> memref<100000x128xf32, #tpu.memory_space<hbm>>
        %dma_start3A_362 = arith.constant 0 : i32
        %dma_start3A_363 = arith.constant 0 : i32
        %dma_start3A_364 = tpu.memref_slice %dma_start3A_361[%dma_start3A_362, %dma_start3A_363] : memref<100000x128xf32, #tpu.memory_space<hbm>> -> memref<100000x128xf32, #tpu.memory_space<hbm>>
        tpu.enqueue_indirect_dma source(%dma_start3A_364 : memref<100000x128xf32, #tpu.memory_space<hbm>>) target(%dma_start3A_357 : memref<50x128xf32, #tpu.memory_space<vmem>>) offsets(%dma_start3A_358 : memref<50xi32, #tpu.memory_space<vmem>>) semaphore(%arg17 : memref<!tpu.dma_semaphore, #tpu.memory_space<semaphore_mem>>)
        %dma_start3A_365 = arith.constant 0 : i32
        %dma_start3A_366 = arith.constant 128 : i32
        %dma_start3A_367 = tpu.memref_slice %arg9[%dma_start3A_365, %dma_start3A_366] : memref<50x300xf32, #tpu.memory_space<vmem>> -> memref<50x128xf32, #tpu.memory_space<vmem>>
        %dma_start3A_368 = tpu.memref_slice %arg6[%mul3A_354] : memref<7168xi32, #tpu.memory_space<vmem>> -> memref<50xi32, #tpu.memory_space<vmem>>
        %dma_start3A_369 = arith.constant 0 : i32
        %dma_start3A_370 = arith.constant 128 : i32
        %dma_start3A_371 = tpu.memref_slice %arg2[%dma_start3A_369, %dma_start3A_370] : memref<100000x300xf32, #tpu.memory_space<hbm>> -> memref<100000x128xf32, #tpu.memory_space<hbm>>
        %dma_start3A_372 = arith.constant 0 : i32
        %dma_start3A_373 = arith.constant 0 : i32
        %dma_start3A_374 = tpu.memref_slice %dma_start3A_371[%dma_start3A_372, %dma_start3A_373] : memref<100000x128xf32, #tpu.memory_space<hbm>> -> memref<100000x128xf32, #tpu.memory_space<hbm>>
        tpu.enqueue_indirect_dma source(%dma_start3A_374 : memref<100000x128xf32, #tpu.memory_space<hbm>>) target(%dma_start3A_367 : memref<50x128xf32, #tpu.memory_space<vmem>>) offsets(%dma_start3A_368 : memref<50xi32, #tpu.memory_space<vmem>>) semaphore(%arg21 : memref<!tpu.dma_semaphore, #tpu.memory_space<semaphore_mem>>)
        %dma_start3A_375 = tpu.memref_slice %arg6[%mul3A_354] : memref<7168xi32, #tpu.memory_space<vmem>> -> memref<50xi32, #tpu.memory_space<vmem>>
        %dma_start3A_376 = arith.constant 0 : i32
        %dma_start3A_377 = arith.constant 0 : i32
        %dma_start3A_378 = tpu.memref_slice %arg3[%dma_start3A_376, %dma_start3A_377] : memref<100000x128xf32, #tpu.memory_space<hbm>> -> memref<100000x128xf32, #tpu.memory_space<hbm>>
        tpu.enqueue_indirect_dma source(%dma_start3A_378 : memref<100000x128xf32, #tpu.memory_space<hbm>>) target(%arg13 : memref<50x128xf32, #tpu.memory_space<vmem>>) offsets(%dma_start3A_375 : memref<50xi32, #tpu.memory_space<vmem>>) semaphore(%arg25 : memref<!tpu.dma_semaphore, #tpu.memory_space<semaphore_mem>>)
      } else {
      }
    }
    %scan3A_86 = arith.constant 32 : i32
    %add3A_87 = arith.constant 128 : i32
    %add3A_88 = arith.addi %mul3A_2, %add3A_87 : i32
    %sub3A = arith.constant 4 : i32
    %sub3A_89 = arith.subi %add3A_88, %sub3A : i32
    %add3A_90 = arith.constant 0 : i32
    %add3A_91 = arith.addi %sub3A_89, %add3A_90 : i32
    %dma_wait3A = arith.constant 0 : i32
    %dma_wait3A_92 = arith.constant 0 : i32
    %dma_wait3A_93 = tpu.memref_slice %arg5[%add3A_91, %dma_wait3A, %dma_wait3A_92] : memref<4096x50x300xf32, #tpu.memory_space<hbm>> -> memref<1x50x300xf32, #tpu.memory_space<hbm>>
    %dma_wait3A_94 = tpu.memref_squeeze %dma_wait3A_93 : memref<1x50x300xf32, #tpu.memory_space<hbm>> -> memref<50x300xf32, #tpu.memory_space<hbm>>
    %dma_wait3A_95 = arith.constant 0 : i32
    %dma_wait3A_96 = arith.constant 0 : i32
    %dma_wait3A_97 = tpu.memref_slice %arg5[%add3A_91, %dma_wait3A_95, %dma_wait3A_96] : memref<4096x50x300xf32, #tpu.memory_space<hbm>> -> memref<1x50x300xf32, #tpu.memory_space<hbm>>
    %dma_wait3A_98 = tpu.memref_squeeze %dma_wait3A_97 : memref<1x50x300xf32, #tpu.memory_space<hbm>> -> memref<50x300xf32, #tpu.memory_space<hbm>>
    tpu.wait_dma2 semaphore(%arg27 : memref<!tpu.dma_semaphore, #tpu.memory_space<semaphore_mem>>) src(%arg7 : memref<50x300xf32, #tpu.memory_space<vmem>>) dst(%dma_wait3A_98 : memref<50x300xf32, #tpu.memory_space<hbm>>)
    %add3A_99 = arith.constant 128 : i32
    %add3A_100 = arith.addi %mul3A_2, %add3A_99 : i32
    %sub3A_101 = arith.constant 4 : i32
    %sub3A_102 = arith.subi %add3A_100, %sub3A_101 : i32
    %add3A_103 = arith.constant 1 : i32
    %add3A_104 = arith.addi %sub3A_102, %add3A_103 : i32
    %dma_wait3A_105 = arith.constant 0 : i32
    %dma_wait3A_106 = arith.constant 0 : i32
    %dma_wait3A_107 = tpu.memref_slice %arg5[%add3A_104, %dma_wait3A_105, %dma_wait3A_106] : memref<4096x50x300xf32, #tpu.memory_space<hbm>> -> memref<1x50x300xf32, #tpu.memory_space<hbm>>
    %dma_wait3A_108 = tpu.memref_squeeze %dma_wait3A_107 : memref<1x50x300xf32, #tpu.memory_space<hbm>> -> memref<50x300xf32, #tpu.memory_space<hbm>>
    %dma_wait3A_109 = arith.constant 0 : i32
    %dma_wait3A_110 = arith.constant 0 : i32
    %dma_wait3A_111 = tpu.memref_slice %arg5[%add3A_104, %dma_wait3A_109, %dma_wait3A_110] : memref<4096x50x300xf32, #tpu.memory_space<hbm>> -> memref<1x50x300xf32, #tpu.memory_space<hbm>>
    %dma_wait3A_112 = tpu.memref_squeeze %dma_wait3A_111 : memref<1x50x300xf32, #tpu.memory_space<hbm>> -> memref<50x300xf32, #tpu.memory_space<hbm>>
    tpu.wait_dma2 semaphore(%arg28 : memref<!tpu.dma_semaphore, #tpu.memory_space<semaphore_mem>>) src(%arg8 : memref<50x300xf32, #tpu.memory_space<vmem>>) dst(%dma_wait3A_112 : memref<50x300xf32, #tpu.memory_space<hbm>>)
    %add3A_113 = arith.constant 128 : i32
    %add3A_114 = arith.addi %mul3A_2, %add3A_113 : i32
    %sub3A_115 = arith.constant 4 : i32
    %sub3A_116 = arith.subi %add3A_114, %sub3A_115 : i32
    %add3A_117 = arith.constant 2 : i32
    %add3A_118 = arith.addi %sub3A_116, %add3A_117 : i32
    %dma_wait3A_119 = arith.constant 0 : i32
    %dma_wait3A_120 = arith.constant 0 : i32
    %dma_wait3A_121 = tpu.memref_slice %arg5[%add3A_118, %dma_wait3A_119, %dma_wait3A_120] : memref<4096x50x300xf32, #tpu.memory_space<hbm>> -> memref<1x50x300xf32, #tpu.memory_space<hbm>>
    %dma_wait3A_122 = tpu.memref_squeeze %dma_wait3A_121 : memref<1x50x300xf32, #tpu.memory_space<hbm>> -> memref<50x300xf32, #tpu.memory_space<hbm>>
    %dma_wait3A_123 = arith.constant 0 : i32
    %dma_wait3A_124 = arith.constant 0 : i32
    %dma_wait3A_125 = tpu.memref_slice %arg5[%add3A_118, %dma_wait3A_123, %dma_wait3A_124] : memref<4096x50x300xf32, #tpu.memory_space<hbm>> -> memref<1x50x300xf32, #tpu.memory_space<hbm>>
    %dma_wait3A_126 = tpu.memref_squeeze %dma_wait3A_125 : memref<1x50x300xf32, #tpu.memory_space<hbm>> -> memref<50x300xf32, #tpu.memory_space<hbm>>
    tpu.wait_dma2 semaphore(%arg29 : memref<!tpu.dma_semaphore, #tpu.memory_space<semaphore_mem>>) src(%arg9 : memref<50x300xf32, #tpu.memory_space<vmem>>) dst(%dma_wait3A_126 : memref<50x300xf32, #tpu.memory_space<hbm>>)
    %add3A_127 = arith.constant 128 : i32
    %add3A_128 = arith.addi %mul3A_2, %add3A_127 : i32
    %sub3A_129 = arith.constant 4 : i32
    %sub3A_130 = arith.subi %add3A_128, %sub3A_129 : i32
    %add3A_131 = arith.constant 3 : i32
    %add3A_132 = arith.addi %sub3A_130, %add3A_131 : i32
    %dma_wait3A_133 = arith.constant 0 : i32
    %dma_wait3A_134 = arith.constant 0 : i32
    %dma_wait3A_135 = tpu.memref_slice %arg5[%add3A_132, %dma_wait3A_133, %dma_wait3A_134] : memref<4096x50x300xf32, #tpu.memory_space<hbm>> -> memref<1x50x300xf32, #tpu.memory_space<hbm>>
    %dma_wait3A_136 = tpu.memref_squeeze %dma_wait3A_135 : memref<1x50x300xf32, #tpu.memory_space<hbm>> -> memref<50x300xf32, #tpu.memory_space<hbm>>
    %dma_wait3A_137 = arith.constant 0 : i32
    %dma_wait3A_138 = arith.constant 0 : i32
    %dma_wait3A_139 = tpu.memref_slice %arg5[%add3A_132, %dma_wait3A_137, %dma_wait3A_138] : memref<4096x50x300xf32, #tpu.memory_space<hbm>> -> memref<1x50x300xf32, #tpu.memory_space<hbm>>
    %dma_wait3A_140 = tpu.memref_squeeze %dma_wait3A_139 : memref<1x50x300xf32, #tpu.memory_space<hbm>> -> memref<50x300xf32, #tpu.memory_space<hbm>>
    tpu.wait_dma2 semaphore(%arg30 : memref<!tpu.dma_semaphore, #tpu.memory_space<semaphore_mem>>) src(%arg10 : memref<50x300xf32, #tpu.memory_space<vmem>>) dst(%dma_wait3A_140 : memref<50x300xf32, #tpu.memory_space<hbm>>)
    return
  }
}

</mosaic_0001>

<sc_bundles>
// kernel: kernel.3.cloned.1.call-start
scs
__scs_entry_jumppad:
0x0: {  	(pc) =	sbr.rel $0x88, $3  }
0x1: {  	(tag) =	ssettag $0x0;
	lr =	simm.s32 $0x1  }
0x2: {  	[smem:$0x3F9F] =	sst lr;
	_ =	strace $0xD0000000  }
0x3: {  	_ = 	snop  }
0x4: {  	_ = 	snop  }
0x5: {  	_ = 	snop  }
0x6: {  	_ = 	snop  }
0x7: {  	_ = 	snop  }
__scs_overlays_trampoline_lowered:
0x8: {  	[smem:$0x3FAE] =	sst s0  }
0x9: {  	[smem:$0x3FAF] =	sst s1  }
0xa: {  	[smem:$0x3FB0] =	sst s2  }
0xb: {  	[smem:$0x3FB1] =	sst s3  }
0xc: {  	[smem:$0x3FB2] =	sst s4  }
0xd: {  	[smem:$0x3FB3] =	sst s5  }
0xe: {  	[smem:$0x3FB4] =	sst s6  }
0xf: {  	[smem:$0x3FB5] =	sst s7  }
0x10: {  	[smem:$0x3FB6] =	sst s8  }
0x11: {  	[smem:$0x3FB7] =	sst s9;
	s0 =	simm.s32 @!p0 $0x0  }
0x12: {  	s1 =	sld [smem:$0x3F9D];
	s0 =	simm.s32 @p0 $0x1  }
0x13: {  	[smem:$0x3FB8] =	sst s0;
	s0 =	simm.s32 @!p1 $0x0  }
0x14: {  	s2 =	sld [smem:$0x3F9C];
	s0 =	simm.s32 @p1 $0x1  }
0x15: {  	[smem:$0x3FB9] =	sst s0;
	s0 =	simm.s32 @!p2 $0x0  }
0x16: {  	s3 =	sld [smem:$0x3FDB];
	s0 =	simm.s32 @p2 $0x1  }
0x17: {  	s4 =	simm.s32 $0x1BF5;
	[smem:$0x3FBB] =	sst s0  }
0x18: {  	s0 =	sld [smem:$0x3F9E];
	_ =	swait.ge [sflag:s4], $0x0  }
0x19: {  	s7 =	sld [smem:$0x3F9F]  }
0x1a: {  	s8 =	sadd.s32 $0xFFFFE003, lr  }
0x1b: {  	s9 =	sadd.s32 $0xFFFFFEF7, lr;
	s5 =	simm.s32 $0xFFFFFFFF;
	p2 =	slt.u32 s8, $0xFFFFF086  }
0x1c: {  	p1 =	slt.u32 s9, $0xF7A;
	s5 =	simm.s32 @!p2 $0x0  }
0x1d: {  	s5 =	simm.s32 @p1 $0x1;
	p0 =	seq.s32 s7, s2  }
0x1e: {  	s7 =	smul.u32 @!p0 $0xF7A, s2;
	p2 =	seq.s32 @!p0 s5, $0x0  }
0x1f: {  	s9 =	smul.u32 $0xF7A, s1;
	s8 =	simm.s32 @!p0 $0x1BF5;
	p2 =	por !p2, p0  }
0x20: {  	[sflag:s8] =	ssyncset.s32 @!p0 $0xFFFFF086;
	s6 =	sadd.s32 @!p0 s3, s7;
	s7 =	simm.s32 @!p0 $0x108  }
0x21: {  	s3 =	sadd.s32 s3, s9;
	s6 =	sadd.s32 @!p0 $0x88, s6;
	s7 =	simm.s32 @p2 $0x1082  }
0x22: {  	[simem:s7], [sflag:s8] =	dma.local @!p0 [hbm:s6], $0xF7A  }
0x23: {  	s9 =	sor.u32 $0xD0000000, s2;
	s6 =	simm.s32 $0x108;
	_ =	swait.ge @!p0 [sflag:s8], $0x0  }
0x24: {  	s3 =	sadd.s32 $0x88, s3;
	s6 =	simm.s32 @!p1 $0x1082;
	[sflag:s4] =	ssyncset.s32 $0xFFFFF086  }
0x25: {  	[simem:s6], [sflag:s4] =	dma.local [hbm:s3], $0xF7A  }
0x26: {  	[smem:$0x3F9F] =	sst s1;
	(tag) =	ssettag s2;
	_ =	strace s9  }
0x27: {  	s1 =	sld [smem:$0x3FAF]  }
0x28: {  	s2 =	sld [smem:$0x3FB0]  }
0x29: {  	s4 =	sld [smem:$0x3FB2]  }
0x2a: {  	p0 =	seq.s32 s5, $0x0;
	s5 =	sld [smem:$0x3FB3]  }
0x2b: {  	s6 =	sld [smem:$0x3FB4]  }
0x2c: {  	s7 =	sld [smem:$0x3FB5]  }
0x2d: {  	s3 =	simm.s32 $0x108;
	s8 =	sld [smem:$0x3FB6]  }
0x2e: {  	s3 =	simm.s32 @!p0 $0x1082;
	s9 =	sld [smem:$0x3FB7]  }
0x2f: {  	lr =	sadd.s32 s0, s3;
	s0 =	sld [smem:$0x3FAE]  }
0x30: {  	s3 =	sld [smem:$0x3FB1]  }
0x31: {  	[smem:$0x3FBA] =	sst s10  }
0x32: {  	s10 =	sld [smem:$0x3FB8];
	_ =	sdelay $0x3  }
0x33: {  	p0 =	seq.s32 s10, $0x1;
	s10 =	sld [smem:$0x3FBA];
	_ =	sdelay $0x3  }
0x34: {  	[smem:$0x3FBA] =	sst s10  }
0x35: {  	s10 =	sld [smem:$0x3FB9];
	_ =	sdelay $0x3  }
0x36: {  	p1 =	seq.s32 s10, $0x1;
	s10 =	sld [smem:$0x3FBA];
	_ =	sdelay $0x3  }
0x37: {  	[smem:$0x3FBA] =	sst s10  }
0x38: {  	s10 =	sld [smem:$0x3FBB]  }
0x39: {  	_ = 	snop;
	(pc) =	sbr.ind lr, $3  }
0x3a: {  	_ = 	snop  }
0x3b: {  	_ = 	snop  }
0x3c: {  	p2 =	seq.s32 s10, $0x1;
	s10 =	sld [smem:$0x3FBA]  }
0x3d: {  	_ =	shalt  }
0x3e: {  	_ =	shalt  }
0x3f: {  	_ =	shalt  }
0x40: {  	_ =	shalt  }
0x41: {  	_ =	shalt  }
0x42: {  	_ =	shalt  }
0x43: {  	_ =	shalt  }
0x44: {  	_ =	shalt  }
0x45: {  	_ =	shalt  }
0x46: {  	_ =	shalt  }
0x47: {  	_ =	shalt  }
0x48: {  	_ =	shalt  }
0x49: {  	_ =	shalt  }
0x4a: {  	_ =	shalt  }
0x4b: {  	_ =	shalt  }
0x4c: {  	_ =	shalt  }
0x4d: {  	_ =	shalt  }
0x4e: {  	_ =	shalt  }
0x4f: {  	_ =	shalt  }
0x50: {  	_ =	shalt  }
0x51: {  	_ =	shalt  }
0x52: {  	_ =	shalt  }
0x53: {  	_ =	shalt  }
0x54: {  	_ =	shalt  }
0x55: {  	_ =	shalt  }
0x56: {  	_ =	shalt  }
0x57: {  	_ =	shalt  }
0x58: {  	_ =	shalt  }
0x59: {  	_ =	shalt  }
0x5a: {  	_ =	shalt  }
0x5b: {  	_ =	shalt  }
0x5c: {  	_ =	shalt  }
0x5d: {  	_ =	shalt  }
0x5e: {  	_ =	shalt  }
0x5f: {  	_ =	shalt  }
0x60: {  	_ =	shalt  }
0x61: {  	_ =	shalt  }
0x62: {  	_ =	shalt  }
0x63: {  	_ =	shalt  }
0x64: {  	_ =	shalt  }
0x65: {  	_ =	shalt  }
0x66: {  	_ =	shalt  }
0x67: {  	_ =	shalt  }
0x68: {  	_ =	shalt  }
0x69: {  	_ =	shalt  }
0x6a: {  	_ =	shalt  }
0x6b: {  	_ =	shalt  }
0x6c: {  	_ =	shalt  }
0x6d: {  	_ =	shalt  }
0x6e: {  	_ =	shalt  }
0x6f: {  	_ =	shalt  }
0x70: {  	_ =	shalt  }
0x71: {  	_ =	shalt  }
0x72: {  	_ =	shalt  }
0x73: {  	_ =	shalt  }
0x74: {  	_ =	shalt  }
0x75: {  	_ =	shalt  }
0x76: {  	_ =	shalt  }
0x77: {  	_ =	shalt  }
0x78: {  	_ =	shalt  }
0x79: {  	_ =	shalt  }
0x7a: {  	_ =	shalt  }
0x7b: {  	_ =	shalt  }
0x7c: {  	_ =	shalt  }
0x7d: {  	_ =	shalt  }
0x7e: {  	_ =	shalt  }
0x7f: {  	_ =	shalt  }
0x80: {  	_ =	shalt  }
0x81: {  	_ =	shalt  }
0x82: {  	_ =	shalt  }
0x83: {  	_ =	shalt  }
0x84: {  	_ =	shalt  }
0x85: {  	_ =	shalt  }
0x86: {  	_ =	shalt  }
0x87: {  	_ =	shalt  }
.Lfunc_end0:
.L_simem_size_0:
called_computation_lowered:
.L_overlay_start_0:
0x88: {  	s2 =	sld [smem:$0x3FD9]  }
0x89: {  	s3 =	sld [smem:$0x3FFE];
	_ =	sdelay $0x1  }
0x8a: {  	s1 =	srdreg.scid  }
0x8b: {  	s0 =	sand.u32 $0x1, s1  }
0x8c: {  	s17 =	sshll.u32 s0, $0xA;
	s2 =	sadd.s32 s3, s2  }
0x8d: {  	s2 =	sadd.s32 s2, s17  }
0x8e: {  	[smem:$0x3FC6] =	sst s2  }
0x8f: {  	_ = 	snop  }
0x90: {  	s2 =	sld [smem:$0x3FD0];
	(tm) =	ssettm $0x1  }
0x91: {  	s18 =	sld [smem:$0x3FFB];
	_ =	sdelay $0x3  }
0x92: {  	_ =	strace s18  }
0x93: {  	s3 =	sld [smem:$0x3FFC];
	_ =	sdelay $0x3  }
0x94: {  	_ =	strace s3  }
0x95: {  	s3 =	sld [smem:$0x3FFD];
	_ =	sdelay $0x3  }
0x96: {  	_ =	strace s3  }
0x97: {  	_ =	strace $0x8FFFFFFF  }
0x98: {  	s19 =	sld [smem:$0x3FDB];
	_ =	sdelay $0x1  }
0x99: {  	s4 =	simm.s32 $_scs_section_size  }
0x9a: {  	s5 =	simm.s32 $_size__tile_overlayer_lowered;
	s6 =	simm.s32 $_tile_overlayer_lowered  }
0x9b: {  	s22 =	simm.s32 $0x1BFF;
	s21 =	sshll.u32 s6, $0x1;
	s3 =	sadd.s32 s4, s19  }
0x9c: {  	s7 =	simm.s32 $0x0;
	s20 =	sshll.u32 s5, $0x1;
	s5 =	sadd.s32 s21, s3  }
0x9d: {  	[timem:s7], [sflag:s22] =	dma.local [hbm:s5], s20  }
0x9e: {  	_ =	swait.ge [sflag:s22], s20  }
0x9f: {  	s4 =	ssub.s32 $0x0, s20;
	[sflag:s22] =	ssyncset.done $0x0  }
0xa0: {  	[sflag:s22] =	ssyncadd.s32 s4;
	_ =	sdelay $0x1  }
0xa1: {  	s23 =	simm.s32 $0x1B8B  }
0xa2: {  	_ =	swait.ge [sflag:s23], $0x1  }
0xa3: {  	[sflag:s23] =	ssyncset.done $0x0  }
0xa4: {  	s25 =	simm.s32 $0x1B8E;
	s24 =	sld [smem:$0x3FFE];
	[sflag:s23] =	ssyncadd.s32 $0xFFFFFFFF  }
0xa5: {  	s26 =	simm.s32 $execute0_lowered;
	[smem:$0x3FD2] =	sst s25  }
0xa6: {  	s5 =	sshll.u32 s26, $0x1;
	_ =	strace $0x80000046;
	[dreg:$0x1] =	wrdreg $0xFFFFFFFF  }
0xa7: {  	s28 =	simm.s32 $_size_execute0_lowered;
	s3 =	sadd.s32 s3, s5;
	[dreg:$0x0] =	wrdreg $0x0  }
0xa8: {  	s5 =	sshll.u32 s28, $0x1;
	[dreg:$0x2] =	wrdreg s3  }
0xa9: {  	[dreg:$0x3] =	wrdreg s5  }
0xaa: {  	[dreg:$0x4] =	wrdreg $0xC0  }
0xab: {  	_ =	task [dreg:s7], $0x5FFFF  }
0xac: {  	[dreg:$0x1] =	wrdreg $0xFFFFFFFF  }
0xad: {  	[dreg:$0x0] =	wrdreg $0x60  }
0xae: {  	[dreg:$0x2] =	wrdreg s2  }
0xaf: {  	[dreg:$0x3] =	wrdreg s24  }
0xb0: {  	[dreg:$0x4] =	wrdreg $0x9  }
0xb1: {  	_ =	task.clear_ibuf [dreg:s7], $0x5FFFF;
	_ =	strace $0x90000046  }
0xb2: {  	s29 =	simm.s32 $0x9;
	_ =	strace $0x80000048  }
0xb3: {  	_ =	swait.ge [sflag:s29], $0x1  }
0xb4: {  	[sflag:s29] =	ssyncadd.s32 $0xFFFFFFFF  }
0xb5: {  	_ =	strace $0x90000048  }
0xb6: {  	_ =	sfence  }
0xb7: {  	s30 =	sld [smem:$0x0];
	_ =	sdelay $0x2  }
0xb8: {  	s31 =	sshll.u32 s1, $0xD;
	s1 =	sshrl.u32 s1, $0x2  }
0xb9: {  	s3 =	sand.u32 $0x4000, s31;
	s1 =	sadd.s32 s1, s30  }
0xba: {  	s0 =	sor.u32 s3, s0;
	s1 =	sshll.u32 s1, $0x11  }
0xbb: {  	s0 =	sor.u32 s1, s0  }
0xbc: {  	s0 =	sadd.s32 $0x8F2B, s0  }
0xbd: {  	[sflag:s0] =	ssyncadd.remote.s32 $0x1  }
0xbe: {  	_ =	sfence.sel $0xFFFF  }
0xbf: {  	[dreg:$0x0] =	wrdreg $0xFFFFFFFF;
	(pc) =	sbr.abs _section_cstart, $3  }
0xc0: {  	[dreg:$0x1] =	wrdreg $0xFFFFFFFF  }
0xc1: {  	_ =	task.clear_ibuf [dreg:s7], $0x2FFFF;
	_ =	strace $0x9FFFFFFF  }
0xc2: {  	(tm) =	ssettm $0x7FFFFFFF  }
0xc3: {  	_ =	shalt  }
tec
execute0_lowered:
.L_overlay_start_1:
0x0: {  	(tag) =	ssettag $0x1  }
0x1: {  	s2 =	rddreg [dreg:$0x0]  }
0x2: {  	s0 =	rddreg [dreg:$0x1];
	s1 =	srdreg.scid  }
0x3: {  	s3 =	stileid.u32;
	s13 =	simm.s32 $0x1C00;
	s30 =	simm.s32 $0x7000  }
0x4: {  	s20 =	simm.s32 $0xC400;
	s15 =	simm.s32 $0x9;
	s16 =	simm.s32 $0x11800  }
0x5: {  	s11 =	simm.s32 $0x2;
	s9 =	simm.s32 $0xA;
	s17 =	simm.s32 $0x3  }
0x6: {  	s18 =	simm.s32 $0x7;
	s19 =	simm.s32 $0xB;
	s21 =	simm.s32 $0x4  }
0x7: {  	s22 =	simm.s32 $0x8;
	s23 =	simm.s32 $0xC;
	s1 =	sand.u32 $0x1, s1  }
0x8: {  	s4 =	sshll.u32 s3, $0x8;
	s6 =	sshrl.u32 s3, $0x2;
	s5 =	sshll.u32 s1, $0x7  }
0x9: {  	s10 =	simm.s32 $0x0;
	s26 =	smul.u32 $0xE000, s6;
	s4 =	sor.u32 s5, s4  }
0xa: {  	s14 =	simm.s32 $0x32;
	s3 =	simm.s32 $0x0;
	s28 =	sand.u32 $0x380, s4  }
0xb: {  	s8 =	sadd.s32 $0x80, s2;
	[smem:$0x7FF] =	sst s3;
	s6 =	sor.u32 s26, s28  }
.Ltmp0:
0xc: {  	s1 =	ssub.s32 $0x2, s1;
	s6 =	sshrl.u32 s6, $0x3;
	(pc) =	sbr.rel .LBB2_1-.Ltmp0, $4  }
0xd: {  	s5 =	sadd.s32 $0x18DE00, s0;
	s29 =	sshrl.u32 s1, $0x1;
	s7 =	sadd.s32 s6, s0  }
0xe: {  	v3 =	vlaneseq.u32;
	vm0 =	vmmov $0xff;
	s6 =	sadd.s32 $0x314800, s0;
	s0 =	ssub.s32 s1, s29;
	s31 =	sadd.s32 $0x400, s7  }
0xf: {  	vm1 =	vmmov $0x3;
	v1 =	vshrl.u32 v3, $0x3;
	v0 =	vand.u32 $0x7, v3;
	_ =	strace $0x80000047;
	s0 =	smax.u32 s0, $0x1;
	[dreg:$0x3] =	wrdreg s31  }
0x10: {  	v2 =	vor.u32 $0x8, v3;
	v3 =	vor.u32 $0x20, v3;
	v1 =	vmul.u32 $0x8, v1;
	s26 =	simm.s32 $0xF;
	s7 =	simm.s32 $0x6;
	[dreg:$0x4] =	wrdreg s0  }
.LBB2_16:
0x11: {  	s0 =	simm.s32 $0xD  }
0x12: {  	_ =	swait.ge [sflag:s0], $0x5400  }
0x13: {  	[sflag:s0] =	ssyncset.done $0x0  }
0x14: {  	s29 =	simm.s32 $0xE;
	[sflag:s0] =	ssyncadd.s32 $0xFFFFAC00  }
0x15: {  	_ =	swait.ge [sflag:s29], $0x5400  }
0x16: {  	[sflag:s29] =	ssyncset.done $0x0  }
0x17: {  	[sflag:s29] =	ssyncadd.s32 $0xFFFFAC00  }
0x18: {  	_ =	swait.ge [sflag:s26], $0x5400  }
0x19: {  	[sflag:s26] =	ssyncset.done $0x0  }
0x1a: {  	s1 =	simm.s32 $0x10;
	[sflag:s26] =	ssyncadd.s32 $0xFFFFAC00  }
0x1b: {  	_ =	swait.ge [sflag:s1], $0x5400  }
0x1c: {  	s10 =	rddreg [dreg:$0x5]  }
0x1d: {  	s31 =	rddreg [dreg:$0x4];
	s10 =	sadd.s32 $0x1, s10  }
0x1e: {  	p0 =	sne.s32 s10, s31  }
.Ltmp1:
0x1f: {  	_ = 	snop;
	(pc) =	sbr.rel @!p0 .LBB2_17-.Ltmp1, $3  }
0x20: {  	_ =	sdelay $0x1  }
0x21: {  	[sflag:s1] =	ssyncset.done $0x0  }
0x22: {  	[sflag:s1] =	ssyncadd.s32 $0xFFFFAC00  }
.LBB2_1:
0x23: {  	[dreg:$0x5] =	wrdreg s10  }
0x24: {  	s0 =	rddreg [dreg:$0x3]  }
0x25: {  	s1 =	simm.s32 $0x80;
	s28 =	simm.s32 $0x400;
	s31 =	simm.s32 $0x11  }
0x26: {  	[tilespmem:s3], [sflag:$0x11] =	stream.strided.gather [hbm4b:s0+s1], $0x1C00, s28, s1, $0x38;
	[tilespmem:$0x1DC00] =	vst v63  }
0x27: {  	_ =	swait.ge [sflag:s31], $0x1C00  }
0x28: {  	[sflag:s31] =	ssyncset.done $0x0  }
0x29: {  	[sflag:s31] =	ssyncadd.s32 $0xFFFFE400  }
0x2a: {  	v4 =	vld [tilespmem:$0x0];
	_ =	sdelay $0x4  }
0x2b: {  	v5 =	vshrl.u32 v4, $0x3  }
0x2c: {  	v5 =	vmul.u32 $0x18, v5  }
0x2d: {  	v4 =	vand.u32 $0x7, v4  }
0x2e: {  	v4 =	vor.u32 v4, v5  }
0x2f: {  	v5 =	vperm.xlane v4, v0;
	_ =	sdelay $0x1  }
0x30: {  	v4 =	vperm.xlane v4, v2;
	v5 =	vadd.s32 v1, v5;
	_ =	sdelay $0x1  }
0x31: {  	v4 =	vadd.s32 v1, v4;
	_ =	sdelay $0x2  }
0x32: {  	[tilespmem:s13], [sflag:$0x1] =	stream.indirect_vreg.gather [hbm4b:s2+s3], $0x80, v5, vm0, $0xb8;
	[tilespmem:$0x1DC00] =	vst v63  }
0x33: {  	s1 =	simm.s32 $0x2800  }
0x34: {  	[tilespmem:s1], [sflag:$0x1] =	stream.indirect_vreg.gather [hbm4b:s2+s3], $0x80, v4, vm0, $0xb8;
	[tilespmem:$0x1DC00] =	vst v63  }
0x35: {  	v4 =	vld [tilespmem:$0x10];
	_ =	sdelay $0x4  }
0x36: {  	v5 =	vshrl.u32 v4, $0x3  }
0x37: {  	v5 =	vmul.u32 $0x18, v5  }
0x38: {  	v4 =	vand.u32 $0x7, v4  }
0x39: {  	v4 =	vor.u32 v4, v5  }
0x3a: {  	v5 =	vperm.xlane v4, v0;
	_ =	sdelay $0x1  }
0x3b: {  	v4 =	vperm.xlane v4, v2;
	v5 =	vadd.s32 v1, v5;
	_ =	sdelay $0x1  }
0x3c: {  	v4 =	vadd.s32 v1, v4;
	_ =	sdelay $0x1  }
0x3d: {  	s10 =	simm.s32 $0x3400  }
0x3e: {  	[tilespmem:s10], [sflag:$0x1] =	stream.indirect_vreg.gather [hbm4b:s2+s3], $0x80, v5, vm0, $0xb8;
	[tilespmem:$0x1DC00] =	vst v63  }
0x3f: {  	s12 =	simm.s32 $0x4000  }
0x40: {  	[tilespmem:s12], [sflag:$0x1] =	stream.indirect_vreg.gather [hbm4b:s2+s3], $0x80, v4, vm0, $0xb8;
	[tilespmem:$0x1DC00] =	vst v63  }
0x41: {  	v4 =	vld [tilespmem:$0x20];
	_ =	sdelay $0x4  }
0x42: {  	v5 =	vshrl.u32 v4, $0x3  }
0x43: {  	v5 =	vmul.u32 $0x18, v5  }
0x44: {  	v4 =	vand.u32 $0x7, v4  }
0x45: {  	v4 =	vor.u32 v4, v5  }
0x46: {  	v5 =	vperm.xlane v4, v0;
	_ =	sdelay $0x1  }
0x47: {  	v4 =	vperm.xlane v4, v2;
	v5 =	vadd.s32 v1, v5;
	_ =	sdelay $0x1  }
0x48: {  	v4 =	vadd.s32 v1, v4;
	_ =	sdelay $0x1  }
0x49: {  	s24 =	simm.s32 $0x4C00  }
0x4a: {  	[tilespmem:s24], [sflag:$0x1] =	stream.indirect_vreg.gather [hbm4b:s2+s3], $0x80, v5, vm0, $0xb8;
	[tilespmem:$0x1DC00] =	vst v63  }
0x4b: {  	s25 =	simm.s32 $0x5800  }
0x4c: {  	[tilespmem:s25], [sflag:$0x1] =	stream.indirect_vreg.gather [hbm4b:s2+s3], $0x80, v4, vm0, $0xb8;
	[tilespmem:$0x1DC00] =	vst v63  }
0x4d: {  	v4 =	vld.msk [tilespmem:$0x30], $0x3;
	_ =	sdelay $0x4  }
0x4e: {  	v5 =	vshrl.u32 v4, $0x3  }
0x4f: {  	v5 =	vmul.u32 $0x18, v5  }
0x50: {  	v4 =	vand.u32 $0x7, v4  }
0x51: {  	v4 =	vor.u32 v4, v5  }
0x52: {  	v4 =	vperm.xlane v4, v0;
	_ =	sdelay $0x1  }
0x53: {  	v4 =	vadd.s32 v1, v4;
	_ =	sdelay $0x3  }
0x54: {  	s28 =	simm.s32 $0x6400  }
0x55: {  	[tilespmem:s28], [sflag:$0x1] =	stream.indirect_vreg.gather [hbm4b:s2+s3], $0x80, v4, vm1, $0xb8;
	[tilespmem:$0x1DC00] =	vst v63  }
0x56: {  	v4 =	vld [tilespmem:$0x0];
	_ =	sdelay $0x4  }
0x57: {  	v5 =	vshrl.u32 v4, $0x3  }
0x58: {  	v5 =	vmul.u32 $0x18, v5  }
0x59: {  	v4 =	vand.u32 $0x7, v4  }
0x5a: {  	v4 =	vor.u32 v4, v5  }
0x5b: {  	v5 =	vperm.xlane v4, v0;
	_ =	sdelay $0x1  }
0x5c: {  	v4 =	vperm.xlane v4, v2;
	v5 =	vadd.s32 v1, v5;
	_ =	sdelay $0x1  }
0x5d: {  	v4 =	vadd.s32 v1, v4;
	_ =	sdelay $0x1  }
0x5e: {  	s31 =	simm.s32 $0x2000  }
0x5f: {  	[tilespmem:s31], [sflag:$0x5] =	stream.indirect_vreg.gather [hbm4b:s8+s3], $0x80, v5, vm0, $0xb8;
	[tilespmem:$0x1DC00] =	vst v63  }
0x60: {  	s1 =	simm.s32 $0x2C00  }
0x61: {  	[tilespmem:s1], [sflag:$0x5] =	stream.indirect_vreg.gather [hbm4b:s8+s3], $0x80, v4, vm0, $0xb8;
	[tilespmem:$0x1DC00] =	vst v63  }
0x62: {  	v4 =	vld [tilespmem:$0x10];
	_ =	sdelay $0x4  }
0x63: {  	v5 =	vshrl.u32 v4, $0x3  }
0x64: {  	v5 =	vmul.u32 $0x18, v5  }
0x65: {  	v4 =	vand.u32 $0x7, v4  }
0x66: {  	v4 =	vor.u32 v4, v5  }
0x67: {  	v5 =	vperm.xlane v4, v0;
	_ =	sdelay $0x1  }
0x68: {  	v4 =	vperm.xlane v4, v2;
	v5 =	vadd.s32 v1, v5;
	_ =	sdelay $0x1  }
0x69: {  	v4 =	vadd.s32 v1, v4;
	_ =	sdelay $0x1  }
0x6a: {  	s10 =	simm.s32 $0x3800  }
0x6b: {  	[tilespmem:s10], [sflag:$0x5] =	stream.indirect_vreg.gather [hbm4b:s8+s3], $0x80, v5, vm0, $0xb8;
	[tilespmem:$0x1DC00] =	vst v63  }
0x6c: {  	s12 =	simm.s32 $0x4400  }
0x6d: {  	[tilespmem:s12], [sflag:$0x5] =	stream.indirect_vreg.gather [hbm4b:s8+s3], $0x80, v4, vm0, $0xb8;
	[tilespmem:$0x1DC00] =	vst v63  }
0x6e: {  	v4 =	vld [tilespmem:$0x20];
	_ =	sdelay $0x4  }
0x6f: {  	v5 =	vshrl.u32 v4, $0x3  }
0x70: {  	v5 =	vmul.u32 $0x18, v5  }
0x71: {  	v4 =	vand.u32 $0x7, v4  }
0x72: {  	v4 =	vor.u32 v4, v5  }
0x73: {  	v5 =	vperm.xlane v4, v0;
	_ =	sdelay $0x1  }
0x74: {  	v4 =	vperm.xlane v4, v2;
	v5 =	vadd.s32 v1, v5;
	_ =	sdelay $0x1  }
0x75: {  	v4 =	vadd.s32 v1, v4;
	_ =	sdelay $0x1  }
0x76: {  	s24 =	simm.s32 $0x5000  }
0x77: {  	[tilespmem:s24], [sflag:$0x5] =	stream.indirect_vreg.gather [hbm4b:s8+s3], $0x80, v5, vm0, $0xb8;
	[tilespmem:$0x1DC00] =	vst v63  }
0x78: {  	s25 =	simm.s32 $0x5C00  }
0x79: {  	[tilespmem:s25], [sflag:$0x5] =	stream.indirect_vreg.gather [hbm4b:s8+s3], $0x80, v4, vm0, $0xb8;
	[tilespmem:$0x1DC00] =	vst v63  }
0x7a: {  	v4 =	vld.msk [tilespmem:$0x30], $0x3;
	_ =	sdelay $0x4  }
0x7b: {  	v5 =	vshrl.u32 v4, $0x3  }
0x7c: {  	v5 =	vmul.u32 $0x18, v5  }
0x7d: {  	v4 =	vand.u32 $0x7, v4  }
0x7e: {  	v4 =	vor.u32 v4, v5  }
0x7f: {  	v4 =	vperm.xlane v4, v0;
	_ =	sdelay $0x1  }
0x80: {  	v4 =	vadd.s32 v1, v4;
	_ =	sdelay $0x3  }
0x81: {  	s28 =	simm.s32 $0x6800  }
0x82: {  	[tilespmem:s28], [sflag:$0x5] =	stream.indirect_vreg.gather [hbm4b:s8+s3], $0x80, v4, vm1, $0xb8;
	[tilespmem:$0x1DC00] =	vst v63  }
0x83: {  	s0 =	simm.s32 $0x32;
	s31 =	simm.s32 $0x16C00  }
0x84: {  	[tilespmem:s31], [sflag:$0x9] =	stream.indirect.gather [hbm4b:s5+s0], $0x80, s3, s0, $0xb8;
	[tilespmem:$0x1DC00] =	vst v63  }
0x85: {  	v4 =	vld [tilespmem:$0x38];
	_ =	sdelay $0x4  }
0x86: {  	v5 =	vshrl.u32 v4, $0x3  }
0x87: {  	v5 =	vmul.u32 $0x18, v5  }
0x88: {  	v4 =	vand.u32 $0x7, v4  }
0x89: {  	v4 =	vor.u32 v4, v5  }
0x8a: {  	v5 =	vperm.xlane v4, v0;
	_ =	sdelay $0x1  }
0x8b: {  	v4 =	vperm.xlane v4, v2;
	v5 =	vadd.s32 v1, v5;
	_ =	sdelay $0x1  }
0x8c: {  	v4 =	vadd.s32 v1, v4;
	_ =	sdelay $0x2  }
0x8d: {  	[tilespmem:s30], [sflag:$0x2] =	stream.indirect_vreg.gather [hbm4b:s2+s3], $0x80, v5, vm0, $0xb8;
	[tilespmem:$0x1DC00] =	vst v63  }
0x8e: {  	s10 =	simm.s32 $0x7C00  }
0x8f: {  	[tilespmem:s10], [sflag:$0x2] =	stream.indirect_vreg.gather [hbm4b:s2+s3], $0x80, v4, vm0, $0xb8;
	[tilespmem:$0x1DC00] =	vst v63  }
0x90: {  	v4 =	vld [tilespmem:$0x48];
	_ =	sdelay $0x4  }
0x91: {  	v5 =	vshrl.u32 v4, $0x3  }
0x92: {  	v5 =	vmul.u32 $0x18, v5  }
0x93: {  	v4 =	vand.u32 $0x7, v4  }
0x94: {  	v4 =	vor.u32 v4, v5  }
0x95: {  	v5 =	vperm.xlane v4, v0;
	_ =	sdelay $0x1  }
0x96: {  	v4 =	vperm.xlane v4, v2;
	v5 =	vadd.s32 v1, v5;
	_ =	sdelay $0x1  }
0x97: {  	v4 =	vadd.s32 v1, v4;
	_ =	sdelay $0x1  }
0x98: {  	s12 =	simm.s32 $0x8800  }
0x99: {  	[tilespmem:s12], [sflag:$0x2] =	stream.indirect_vreg.gather [hbm4b:s2+s3], $0x80, v5, vm0, $0xb8;
	[tilespmem:$0x1DC00] =	vst v63  }
0x9a: {  	s24 =	simm.s32 $0x9400  }
0x9b: {  	[tilespmem:s24], [sflag:$0x2] =	stream.indirect_vreg.gather [hbm4b:s2+s3], $0x80, v4, vm0, $0xb8;
	[tilespmem:$0x1DC00] =	vst v63  }
0x9c: {  	v4 =	vld [tilespmem:$0x58];
	_ =	sdelay $0x4  }
0x9d: {  	v5 =	vshrl.u32 v4, $0x3  }
0x9e: {  	v5 =	vmul.u32 $0x18, v5  }
0x9f: {  	v4 =	vand.u32 $0x7, v4  }
0xa0: {  	v4 =	vor.u32 v4, v5  }
0xa1: {  	v5 =	vperm.xlane v4, v0;
	_ =	sdelay $0x1  }
0xa2: {  	v4 =	vperm.xlane v4, v2;
	v5 =	vadd.s32 v1, v5;
	_ =	sdelay $0x1  }
0xa3: {  	v4 =	vadd.s32 v1, v4;
	_ =	sdelay $0x1  }
0xa4: {  	s25 =	simm.s32 $0xA000  }
0xa5: {  	[tilespmem:s25], [sflag:$0x2] =	stream.indirect_vreg.gather [hbm4b:s2+s3], $0x80, v5, vm0, $0xb8;
	[tilespmem:$0x1DC00] =	vst v63  }
0xa6: {  	s28 =	simm.s32 $0xAC00  }
0xa7: {  	[tilespmem:s28], [sflag:$0x2] =	stream.indirect_vreg.gather [hbm4b:s2+s3], $0x80, v4, vm0, $0xb8;
	[tilespmem:$0x1DC00] =	vst v63  }
0xa8: {  	v4 =	vld.msk [tilespmem:$0x68], $0x3;
	_ =	sdelay $0x4  }
0xa9: {  	v5 =	vshrl.u32 v4, $0x3  }
0xaa: {  	v5 =	vmul.u32 $0x18, v5  }
0xab: {  	v4 =	vand.u32 $0x7, v4  }
0xac: {  	v4 =	vor.u32 v4, v5  }
0xad: {  	v4 =	vperm.xlane v4, v0;
	_ =	sdelay $0x1  }
0xae: {  	v4 =	vadd.s32 v1, v4;
	_ =	sdelay $0x3  }
0xaf: {  	s31 =	simm.s32 $0xB800  }
0xb0: {  	[tilespmem:s31], [sflag:$0x2] =	stream.indirect_vreg.gather [hbm4b:s2+s3], $0x80, v4, vm1, $0xb8;
	[tilespmem:$0x1DC00] =	vst v63  }
0xb1: {  	v4 =	vld [tilespmem:$0x38];
	_ =	sdelay $0x4  }
0xb2: {  	v5 =	vshrl.u32 v4, $0x3  }
0xb3: {  	v5 =	vmul.u32 $0x18, v5  }
0xb4: {  	v4 =	vand.u32 $0x7, v4  }
0xb5: {  	v4 =	vor.u32 v4, v5  }
0xb6: {  	v5 =	vperm.xlane v4, v0;
	_ =	sdelay $0x1  }
0xb7: {  	v4 =	vperm.xlane v4, v2;
	v5 =	vadd.s32 v1, v5;
	_ =	sdelay $0x1  }
0xb8: {  	v4 =	vadd.s32 v1, v4;
	_ =	sdelay $0x1  }
0xb9: {  	s10 =	simm.s32 $0x7400  }
0xba: {  	[tilespmem:s10], [sflag:$0x6] =	stream.indirect_vreg.gather [hbm4b:s8+s3], $0x80, v5, vm0, $0xb8;
	[tilespmem:$0x1DC00] =	vst v63  }
0xbb: {  	s12 =	simm.s32 $0x8000  }
0xbc: {  	[tilespmem:s12], [sflag:$0x6] =	stream.indirect_vreg.gather [hbm4b:s8+s3], $0x80, v4, vm0, $0xb8;
	[tilespmem:$0x1DC00] =	vst v63  }
0xbd: {  	v4 =	vld [tilespmem:$0x48];
	_ =	sdelay $0x4  }
0xbe: {  	v5 =	vshrl.u32 v4, $0x3  }
0xbf: {  	v5 =	vmul.u32 $0x18, v5  }
0xc0: {  	v4 =	vand.u32 $0x7, v4  }
0xc1: {  	v4 =	vor.u32 v4, v5  }
0xc2: {  	v5 =	vperm.xlane v4, v0;
	_ =	sdelay $0x1  }
0xc3: {  	v4 =	vperm.xlane v4, v2;
	v5 =	vadd.s32 v1, v5;
	_ =	sdelay $0x1  }
0xc4: {  	v4 =	vadd.s32 v1, v4;
	_ =	sdelay $0x1  }
0xc5: {  	s24 =	simm.s32 $0x8C00  }
0xc6: {  	[tilespmem:s24], [sflag:$0x6] =	stream.indirect_vreg.gather [hbm4b:s8+s3], $0x80, v5, vm0, $0xb8;
	[tilespmem:$0x1DC00] =	vst v63  }
0xc7: {  	s25 =	simm.s32 $0x9800  }
0xc8: {  	[tilespmem:s25], [sflag:$0x6] =	stream.indirect_vreg.gather [hbm4b:s8+s3], $0x80, v4, vm0, $0xb8;
	[tilespmem:$0x1DC00] =	vst v63  }
0xc9: {  	v4 =	vld [tilespmem:$0x58];
	_ =	sdelay $0x4  }
0xca: {  	v5 =	vshrl.u32 v4, $0x3  }
0xcb: {  	v5 =	vmul.u32 $0x18, v5  }
0xcc: {  	v4 =	vand.u32 $0x7, v4  }
0xcd: {  	v4 =	vor.u32 v4, v5  }
0xce: {  	v5 =	vperm.xlane v4, v0;
	_ =	sdelay $0x1  }
0xcf: {  	v4 =	vperm.xlane v4, v2;
	v5 =	vadd.s32 v1, v5;
	_ =	sdelay $0x1  }
0xd0: {  	v4 =	vadd.s32 v1, v4;
	_ =	sdelay $0x1  }
0xd1: {  	s28 =	simm.s32 $0xA400  }
0xd2: {  	[tilespmem:s28], [sflag:$0x6] =	stream.indirect_vreg.gather [hbm4b:s8+s3], $0x80, v5, vm0, $0xb8;
	[tilespmem:$0x1DC00] =	vst v63  }
0xd3: {  	s31 =	simm.s32 $0xB000  }
0xd4: {  	[tilespmem:s31], [sflag:$0x6] =	stream.indirect_vreg.gather [hbm4b:s8+s3], $0x80, v4, vm0, $0xb8;
	[tilespmem:$0x1DC00] =	vst v63  }
0xd5: {  	v4 =	vld.msk [tilespmem:$0x68], $0x3;
	_ =	sdelay $0x4  }
0xd6: {  	v5 =	vshrl.u32 v4, $0x3  }
0xd7: {  	v5 =	vmul.u32 $0x18, v5  }
0xd8: {  	v4 =	vand.u32 $0x7, v4  }
0xd9: {  	v4 =	vor.u32 v4, v5  }
0xda: {  	v4 =	vperm.xlane v4, v0;
	_ =	sdelay $0x1  }
0xdb: {  	v4 =	vadd.s32 v1, v4;
	_ =	sdelay $0x3  }
0xdc: {  	s10 =	simm.s32 $0xBC00  }
0xdd: {  	[tilespmem:s10], [sflag:$0x6] =	stream.indirect_vreg.gather [hbm4b:s8+s3], $0x80, v4, vm1, $0xb8;
	[tilespmem:$0x1DC00] =	vst v63  }
0xde: {  	s12 =	simm.s32 $0x38;
	s24 =	simm.s32 $0x18800  }
0xdf: {  	[tilespmem:s24], [sflag:$0xA] =	stream.indirect.gather [hbm4b:s5+s0], $0x80, s12, s0, $0xb8;
	[tilespmem:$0x1DC00] =	vst v63  }
0xe0: {  	v4 =	vld [tilespmem:$0x70];
	_ =	sdelay $0x4  }
0xe1: {  	v5 =	vshrl.u32 v4, $0x3  }
0xe2: {  	v5 =	vmul.u32 $0x18, v5  }
0xe3: {  	v4 =	vand.u32 $0x7, v4  }
0xe4: {  	v4 =	vor.u32 v4, v5  }
0xe5: {  	v5 =	vperm.xlane v4, v0;
	_ =	sdelay $0x1  }
0xe6: {  	v4 =	vperm.xlane v4, v2;
	v5 =	vadd.s32 v1, v5;
	_ =	sdelay $0x1  }
0xe7: {  	v4 =	vadd.s32 v1, v4;
	_ =	sdelay $0x2  }
0xe8: {  	[tilespmem:s20], [sflag:$0x3] =	stream.indirect_vreg.gather [hbm4b:s2+s3], $0x80, v5, vm0, $0xb8;
	[tilespmem:$0x1DC00] =	vst v63  }
0xe9: {  	s25 =	simm.s32 $0xD000  }
0xea: {  	[tilespmem:s25], [sflag:$0x3] =	stream.indirect_vreg.gather [hbm4b:s2+s3], $0x80, v4, vm0, $0xb8;
	[tilespmem:$0x1DC00] =	vst v63  }
0xeb: {  	v4 =	vld [tilespmem:$0x80];
	_ =	sdelay $0x4  }
0xec: {  	v5 =	vshrl.u32 v4, $0x3  }
0xed: {  	v5 =	vmul.u32 $0x18, v5  }
0xee: {  	v4 =	vand.u32 $0x7, v4  }
0xef: {  	v4 =	vor.u32 v4, v5  }
0xf0: {  	v5 =	vperm.xlane v4, v0;
	_ =	sdelay $0x1  }
0xf1: {  	v4 =	vperm.xlane v4, v2;
	v5 =	vadd.s32 v1, v5;
	_ =	sdelay $0x1  }
0xf2: {  	v4 =	vadd.s32 v1, v4;
	_ =	sdelay $0x1  }
0xf3: {  	s28 =	simm.s32 $0xDC00  }
0xf4: {  	[tilespmem:s28], [sflag:$0x3] =	stream.indirect_vreg.gather [hbm4b:s2+s3], $0x80, v5, vm0, $0xb8;
	[tilespmem:$0x1DC00] =	vst v63  }
0xf5: {  	s31 =	simm.s32 $0xE800  }
0xf6: {  	[tilespmem:s31], [sflag:$0x3] =	stream.indirect_vreg.gather [hbm4b:s2+s3], $0x80, v4, vm0, $0xb8;
	[tilespmem:$0x1DC00] =	vst v63  }
0xf7: {  	v4 =	vld [tilespmem:$0x90];
	_ =	sdelay $0x4  }
0xf8: {  	v5 =	vshrl.u32 v4, $0x3  }
0xf9: {  	v5 =	vmul.u32 $0x18, v5  }
0xfa: {  	v4 =	vand.u32 $0x7, v4  }
0xfb: {  	v4 =	vor.u32 v4, v5  }
0xfc: {  	v5 =	vperm.xlane v4, v0;
	_ =	sdelay $0x1  }
0xfd: {  	v4 =	vperm.xlane v4, v2;
	v5 =	vadd.s32 v1, v5;
	_ =	sdelay $0x1  }
0xfe: {  	v4 =	vadd.s32 v1, v4;
	_ =	sdelay $0x1  }
0xff: {  	s10 =	simm.s32 $0xF400  }
0x100: {  	[tilespmem:s10], [sflag:$0x3] =	stream.indirect_vreg.gather [hbm4b:s2+s3], $0x80, v5, vm0, $0xb8;
	[tilespmem:$0x1DC00] =	vst v63  }
0x101: {  	s12 =	simm.s32 $0x10000  }
0x102: {  	[tilespmem:s12], [sflag:$0x3] =	stream.indirect_vreg.gather [hbm4b:s2+s3], $0x80, v4, vm0, $0xb8;
	[tilespmem:$0x1DC00] =	vst v63  }
0x103: {  	v4 =	vld.msk [tilespmem:$0xA0], $0x3;
	_ =	sdelay $0x4  }
0x104: {  	v5 =	vshrl.u32 v4, $0x3  }
0x105: {  	v5 =	vmul.u32 $0x18, v5  }
0x106: {  	v4 =	vand.u32 $0x7, v4  }
0x107: {  	v4 =	vor.u32 v4, v5  }
0x108: {  	v4 =	vperm.xlane v4, v0;
	_ =	sdelay $0x1  }
0x109: {  	v4 =	vadd.s32 v1, v4;
	_ =	sdelay $0x3  }
0x10a: {  	s24 =	simm.s32 $0x10C00  }
0x10b: {  	[tilespmem:s24], [sflag:$0x3] =	stream.indirect_vreg.gather [hbm4b:s2+s3], $0x80, v4, vm1, $0xb8;
	[tilespmem:$0x1DC00] =	vst v63  }
0x10c: {  	v4 =	vld [tilespmem:$0x70];
	_ =	sdelay $0x4  }
0x10d: {  	v5 =	vshrl.u32 v4, $0x3  }
0x10e: {  	v5 =	vmul.u32 $0x18, v5  }
0x10f: {  	v4 =	vand.u32 $0x7, v4  }
0x110: {  	v4 =	vor.u32 v4, v5  }
0x111: {  	v5 =	vperm.xlane v4, v0;
	_ =	sdelay $0x1  }
0x112: {  	v4 =	vperm.xlane v4, v2;
	v5 =	vadd.s32 v1, v5;
	_ =	sdelay $0x1  }
0x113: {  	v4 =	vadd.s32 v1, v4;
	_ =	sdelay $0x1  }
0x114: {  	s25 =	simm.s32 $0xC800  }
0x115: {  	[tilespmem:s25], [sflag:$0x7] =	stream.indirect_vreg.gather [hbm4b:s8+s3], $0x80, v5, vm0, $0xb8;
	[tilespmem:$0x1DC00] =	vst v63  }
0x116: {  	s28 =	simm.s32 $0xD400  }
0x117: {  	[tilespmem:s28], [sflag:$0x7] =	stream.indirect_vreg.gather [hbm4b:s8+s3], $0x80, v4, vm0, $0xb8;
	[tilespmem:$0x1DC00] =	vst v63  }
0x118: {  	v4 =	vld [tilespmem:$0x80];
	_ =	sdelay $0x4  }
0x119: {  	v5 =	vshrl.u32 v4, $0x3  }
0x11a: {  	v5 =	vmul.u32 $0x18, v5  }
0x11b: {  	v4 =	vand.u32 $0x7, v4  }
0x11c: {  	v4 =	vor.u32 v4, v5  }
0x11d: {  	v5 =	vperm.xlane v4, v0;
	_ =	sdelay $0x1  }
0x11e: {  	v4 =	vperm.xlane v4, v2;
	v5 =	vadd.s32 v1, v5;
	_ =	sdelay $0x1  }
0x11f: {  	v4 =	vadd.s32 v1, v4;
	_ =	sdelay $0x1  }
0x120: {  	s31 =	simm.s32 $0xE000  }
0x121: {  	[tilespmem:s31], [sflag:$0x7] =	stream.indirect_vreg.gather [hbm4b:s8+s3], $0x80, v5, vm0, $0xb8;
	[tilespmem:$0x1DC00] =	vst v63  }
0x122: {  	s10 =	simm.s32 $0xEC00  }
0x123: {  	[tilespmem:s10], [sflag:$0x7] =	stream.indirect_vreg.gather [hbm4b:s8+s3], $0x80, v4, vm0, $0xb8;
	[tilespmem:$0x1DC00] =	vst v63  }
0x124: {  	v4 =	vld [tilespmem:$0x90];
	_ =	sdelay $0x4  }
0x125: {  	v5 =	vshrl.u32 v4, $0x3  }
0x126: {  	v5 =	vmul.u32 $0x18, v5  }
0x127: {  	v4 =	vand.u32 $0x7, v4  }
0x128: {  	v4 =	vor.u32 v4, v5  }
0x129: {  	v5 =	vperm.xlane v4, v0;
	_ =	sdelay $0x1  }
0x12a: {  	v4 =	vperm.xlane v4, v2;
	v5 =	vadd.s32 v1, v5;
	_ =	sdelay $0x1  }
0x12b: {  	v4 =	vadd.s32 v1, v4;
	_ =	sdelay $0x1  }
0x12c: {  	s12 =	simm.s32 $0xF800  }
0x12d: {  	[tilespmem:s12], [sflag:$0x7] =	stream.indirect_vreg.gather [hbm4b:s8+s3], $0x80, v5, vm0, $0xb8;
	[tilespmem:$0x1DC00] =	vst v63  }
0x12e: {  	s24 =	simm.s32 $0x10400  }
0x12f: {  	[tilespmem:s24], [sflag:$0x7] =	stream.indirect_vreg.gather [hbm4b:s8+s3], $0x80, v4, vm0, $0xb8;
	[tilespmem:$0x1DC00] =	vst v63  }
0x130: {  	v4 =	vld.msk [tilespmem:$0xA0], $0x3;
	_ =	sdelay $0x4  }
0x131: {  	v5 =	vshrl.u32 v4, $0x3  }
0x132: {  	v5 =	vmul.u32 $0x18, v5  }
0x133: {  	v4 =	vand.u32 $0x7, v4  }
0x134: {  	v4 =	vor.u32 v4, v5  }
0x135: {  	v4 =	vperm.xlane v4, v0;
	_ =	sdelay $0x1  }
0x136: {  	v4 =	vadd.s32 v1, v4;
	_ =	sdelay $0x3  }
0x137: {  	s25 =	simm.s32 $0x11000  }
0x138: {  	[tilespmem:s25], [sflag:$0x7] =	stream.indirect_vreg.gather [hbm4b:s8+s3], $0x80, v4, vm1, $0xb8;
	[tilespmem:$0x1DC00] =	vst v63  }
0x139: {  	s29 =	simm.s32 $0x0;
	s28 =	simm.s32 $0x70;
	s31 =	simm.s32 $0x1A400  }
0x13a: {  	[tilespmem:s31], [sflag:$0xB] =	stream.indirect.gather [hbm4b:s5+s0], $0x80, s28, s0, $0xb8;
	[tilespmem:$0x1DC00] =	vst v63  }
.LBB2_2:
0x13b: {  	s0 =	simm.s32 $0x1  }
0x13c: {  	_ =	swait.ge [sflag:s0], $0x1900  }
0x13d: {  	[sflag:s0] =	ssyncset.done $0x0  }
0x13e: {  	s28 =	simm.s32 $0x5;
	[sflag:s0] =	ssyncadd.s32 $0xFFFFE700  }
0x13f: {  	_ =	swait.ge [sflag:s28], $0x1900  }
0x140: {  	[sflag:s28] =	ssyncset.done $0x0  }
0x141: {  	[sflag:s28] =	ssyncadd.s32 $0xFFFFE700  }
0x142: {  	_ =	swait.ge [sflag:s15], $0x1900  }
0x143: {  	[sflag:s15] =	ssyncset.done $0x0  }
0x144: {  	s1 =	simm.s32 $0x16C20;
	[sflag:s15] =	ssyncadd.s32 $0xFFFFE700  }
0x145: {  	s31 =	simm.s32 $0x0;
	v4 =	vld [tilespmem:s1+$0xFFFFFFE0]  }
0x146: {  	s10 =	smul.u32 $0x3000, s31  }
0x147: {  	s0 =	simm.s32 $0x0  }
0x148: {  	s10 =	sshra.s32 s10, $0x2;
	s24 =	sand.u32 $0x380, s0  }
0x149: {  	s10 =	sor.u32 s24, s10  }
0x14a: {  	[tilespmem:s10+$0x2400] =	vst v4  }
0x14b: {  	v5 =	vmov s0;
	v4 =	vld [tilespmem:s1+$0xFFFFFFF0]  }
0x14c: {  	v6 =	vshrl.u32 v5, $0x3  }
0x14d: {  	v5 =	vshll.u32 v5, $0x7;
	v6 =	vmul.u32 $0xC00, v6  }
0x14e: {  	v5 =	vand.u32 $0x380, v5  }
0x14f: {  	v5 =	vor.u32 v5, v6  }
0x150: {  	[tilespmem:s10+$0x2410] =	vst v4;
	v4 =	vor.u32 v3, v5  }
0x151: {  	v5 =	vld [tilespmem:s1+$0x0];
	v4 =	vadd.s32 $0x800, v4;
	_ =	sdelay $0x4  }
0x152: {  	s1 =	simm.s32 $0x16CA0;
	[tilespmem:v4+s13+$0x0] =	vst.idx.msk $0xfff, v5  }
0x153: {  	s25 =	simm.s32 $0x0;
	s24 =	simm.s32 $0x2;
	s10 =	simm.s32 $0x1;
	v4 =	vld [tilespmem:s1+$0xFFFFFFE0]  }
.LBB2_3:
0x154: {  	p0 =	sne.s32 s24, $0x31;
	s25 =	smul.u32 $0x3000, s25  }
0x155: {  	s0 =	sadd.s32 $0x80, s0  }
0x156: {  	s28 =	sand.u32 $0x380, s0;
	s25 =	sshra.s32 s25, $0x2  }
0x157: {  	s25 =	sor.u32 s28, s25  }
0x158: {  	[tilespmem:s25+$0x2400] =	vst v4  }
0x159: {  	v5 =	vmov s10;
	s10 =	smov.u32 s24;
	v4 =	vld [tilespmem:s1+$0xFFFFFFF0]  }
0x15a: {  	v6 =	vshrl.u32 v5, $0x3  }
0x15b: {  	v5 =	vshll.u32 v5, $0x7;
	v6 =	vmul.u32 $0xC00, v6  }
0x15c: {  	v5 =	vand.u32 $0x380, v5  }
0x15d: {  	v5 =	vor.u32 v5, v6  }
0x15e: {  	[tilespmem:s25+$0x2410] =	vst v4;
	v4 =	vor.u32 v3, v5  }
0x15f: {  	v5 =	vld [tilespmem:s1+$0x0];
	v4 =	vadd.s32 $0x800, v4;
	_ =	sdelay $0x1  }
.Ltmp2:
0x160: {  	(pc) =	sbr.rel @p0 .LBB2_3-.Ltmp2, $3  }
0x161: {  	_ =	sdelay $0x1  }
0x162: {  	s1 =	sadd.s32 $0x80, s1;
	[tilespmem:v4+s13+$0x0] =	vst.idx.msk $0xfff, v5  }
0x163: {  	s24 =	sadd.s32 $0x1, s24;
	s25 =	sshrl.u32 s10, $0x3;
	v4 =	vld [tilespmem:s1+$0xFFFFFFE0]  }
0x164: {  	s24 =	smul.u32 $0x3000, s25  }
0x165: {  	s0 =	sadd.s32 $0x80, s0  }
0x166: {  	s0 =	sand.u32 $0x380, s0;
	s24 =	sshra.s32 s24, $0x2  }
0x167: {  	s0 =	sor.u32 s0, s24  }
0x168: {  	[tilespmem:s0+$0x2400] =	vst v4  }
0x169: {  	v5 =	vmov s10;
	v4 =	vld [tilespmem:s1+$0xFFFFFFF0]  }
0x16a: {  	v6 =	vshrl.u32 v5, $0x3  }
0x16b: {  	v5 =	vshll.u32 v5, $0x7;
	v6 =	vmul.u32 $0xC00, v6  }
0x16c: {  	v5 =	vand.u32 $0x380, v5  }
0x16d: {  	v5 =	vor.u32 v5, v6  }
0x16e: {  	[tilespmem:s0+$0x2410] =	vst v4;
	v4 =	vor.u32 v3, v5  }
0x16f: {  	v5 =	vld [tilespmem:s1+$0x0];
	v4 =	vadd.s32 $0x800, v4  }
0x170: {  	s0 =	sshll.u32 s29, $0x2  }
0x171: {  	s10 =	sadd.s32 s4, s0  }
0x172: {  	s1 =	smul.u32 $0xA80, s10;
	_ =	sdelay $0x1  }
0x173: {  	p0 =	seq.s32 s29, $0x0;
	s1 =	sadd.s32 s6, s1;
	[tilespmem:v4+s13+$0x0] =	vst.idx.msk $0xfff, v5  }
0x174: {  	[hbm4b:s1+s3] =	stream.linear.scatter [tilespmem:s13], [sflag:$0xD], $0x5400, $0x38;
	[tilespmem:$0x1DC00] =	vst v63  }
0x175: {  	s31 =	sshllo.u32 s29, $0x2;
	s1 =	simm.s32 @!p0 $0x10  }
0x176: {  	s12 =	smul.u32 $0xE0, s31;
	_ =	swait.ge @!p0 [sflag:s1], $0x5400  }
0x177: {  	[sflag:s1] =	ssyncset.done @!p0 $0x0  }
0x178: {  	s10 =	sshra.s32 s12, $0x2;
	[sflag:s1] =	ssyncadd.s32 @!p0 $0xFFFFAC00  }
0x179: {  	v4 =	vld [tilespmem:s10+$0x0];
	_ =	sdelay $0x4  }
0x17a: {  	v5 =	vshrl.u32 v4, $0x3  }
0x17b: {  	v5 =	vmul.u32 $0x18, v5  }
0x17c: {  	v4 =	vand.u32 $0x7, v4  }
0x17d: {  	v4 =	vor.u32 v4, v5  }
0x17e: {  	v5 =	vperm.xlane v4, v0;
	_ =	sdelay $0x1  }
0x17f: {  	v4 =	vperm.xlane v4, v2;
	v5 =	vadd.s32 v1, v5;
	_ =	sdelay $0x1  }
0x180: {  	v4 =	vadd.s32 v1, v4;
	_ =	sdelay $0x1  }
0x181: {  	s1 =	simm.s32 $0x0  }
0x182: {  	[tilespmem:s16], [sflag:$0x4] =	stream.indirect_vreg.gather [hbm4b:s2+s1], $0x80, v5, vm0, $0xb8;
	[tilespmem:$0x1DC00] =	vst v63  }
0x183: {  	s12 =	simm.s32 $0x12400  }
0x184: {  	[tilespmem:s12], [sflag:$0x4] =	stream.indirect_vreg.gather [hbm4b:s2+s1], $0x80, v4, vm0, $0xb8;
	[tilespmem:$0x1DC00] =	vst v63  }
0x185: {  	v4 =	vld [tilespmem:s10+$0x10];
	_ =	sdelay $0x4  }
0x186: {  	v5 =	vshrl.u32 v4, $0x3  }
0x187: {  	v5 =	vmul.u32 $0x18, v5  }
0x188: {  	v4 =	vand.u32 $0x7, v4  }
0x189: {  	v4 =	vor.u32 v4, v5  }
0x18a: {  	v5 =	vperm.xlane v4, v0;
	_ =	sdelay $0x1  }
0x18b: {  	v4 =	vperm.xlane v4, v2;
	v5 =	vadd.s32 v1, v5;
	_ =	sdelay $0x1  }
0x18c: {  	v4 =	vadd.s32 v1, v4;
	_ =	sdelay $0x1  }
0x18d: {  	s24 =	simm.s32 $0x13000  }
0x18e: {  	[tilespmem:s24], [sflag:$0x4] =	stream.indirect_vreg.gather [hbm4b:s2+s1], $0x80, v5, vm0, $0xb8;
	[tilespmem:$0x1DC00] =	vst v63  }
0x18f: {  	s25 =	simm.s32 $0x13C00  }
0x190: {  	[tilespmem:s25], [sflag:$0x4] =	stream.indirect_vreg.gather [hbm4b:s2+s1], $0x80, v4, vm0, $0xb8;
	[tilespmem:$0x1DC00] =	vst v63  }
0x191: {  	v4 =	vld [tilespmem:s10+$0x20];
	_ =	sdelay $0x4  }
0x192: {  	v5 =	vshrl.u32 v4, $0x3  }
0x193: {  	v5 =	vmul.u32 $0x18, v5  }
0x194: {  	v4 =	vand.u32 $0x7, v4  }
0x195: {  	v4 =	vor.u32 v4, v5  }
0x196: {  	v5 =	vperm.xlane v4, v0;
	_ =	sdelay $0x1  }
0x197: {  	v4 =	vperm.xlane v4, v2;
	v5 =	vadd.s32 v1, v5;
	_ =	sdelay $0x1  }
0x198: {  	v4 =	vadd.s32 v1, v4;
	_ =	sdelay $0x1  }
0x199: {  	s24 =	simm.s32 $0x14800  }
0x19a: {  	[tilespmem:s24], [sflag:$0x4] =	stream.indirect_vreg.gather [hbm4b:s2+s1], $0x80, v5, vm0, $0xb8;
	[tilespmem:$0x1DC00] =	vst v63  }
0x19b: {  	s25 =	simm.s32 $0x15400  }
0x19c: {  	[tilespmem:s25], [sflag:$0x4] =	stream.indirect_vreg.gather [hbm4b:s2+s1], $0x80, v4, vm0, $0xb8;
	[tilespmem:$0x1DC00] =	vst v63  }
0x19d: {  	v4 =	vld.msk [tilespmem:s10+$0x30], $0x3;
	_ =	sdelay $0x4  }
0x19e: {  	v5 =	vshrl.u32 v4, $0x3  }
0x19f: {  	v5 =	vmul.u32 $0x18, v5  }
0x1a0: {  	v4 =	vand.u32 $0x7, v4  }
0x1a1: {  	v4 =	vor.u32 v4, v5  }
0x1a2: {  	v4 =	vperm.xlane v4, v0;
	_ =	sdelay $0x1  }
0x1a3: {  	v4 =	vadd.s32 v1, v4;
	_ =	sdelay $0x3  }
0x1a4: {  	s24 =	simm.s32 $0x16000  }
0x1a5: {  	[tilespmem:s24], [sflag:$0x4] =	stream.indirect_vreg.gather [hbm4b:s2+s1], $0x80, v4, vm1, $0xb8;
	[tilespmem:$0x1DC00] =	vst v63  }
0x1a6: {  	v4 =	vld [tilespmem:s10+$0x0];
	_ =	sdelay $0x4  }
0x1a7: {  	v5 =	vshrl.u32 v4, $0x3  }
0x1a8: {  	v5 =	vmul.u32 $0x18, v5  }
0x1a9: {  	v4 =	vand.u32 $0x7, v4  }
0x1aa: {  	v4 =	vor.u32 v4, v5  }
0x1ab: {  	v5 =	vperm.xlane v4, v0;
	_ =	sdelay $0x1  }
0x1ac: {  	v4 =	vperm.xlane v4, v2;
	v5 =	vadd.s32 v1, v5;
	_ =	sdelay $0x1  }
0x1ad: {  	v4 =	vadd.s32 v1, v4;
	_ =	sdelay $0x1  }
0x1ae: {  	s25 =	simm.s32 $0x11C00  }
0x1af: {  	[tilespmem:s25], [sflag:$0x8] =	stream.indirect_vreg.gather [hbm4b:s8+s1], $0x80, v5, vm0, $0xb8;
	[tilespmem:$0x1DC00] =	vst v63  }
0x1b0: {  	s24 =	simm.s32 $0x12800  }
0x1b1: {  	[tilespmem:s24], [sflag:$0x8] =	stream.indirect_vreg.gather [hbm4b:s8+s1], $0x80, v4, vm0, $0xb8;
	[tilespmem:$0x1DC00] =	vst v63  }
0x1b2: {  	v4 =	vld [tilespmem:s10+$0x10];
	_ =	sdelay $0x4  }
0x1b3: {  	v5 =	vshrl.u32 v4, $0x3  }
0x1b4: {  	v5 =	vmul.u32 $0x18, v5  }
0x1b5: {  	v4 =	vand.u32 $0x7, v4  }
0x1b6: {  	v4 =	vor.u32 v4, v5  }
0x1b7: {  	v5 =	vperm.xlane v4, v0;
	_ =	sdelay $0x1  }
0x1b8: {  	v4 =	vperm.xlane v4, v2;
	v5 =	vadd.s32 v1, v5;
	_ =	sdelay $0x1  }
0x1b9: {  	v4 =	vadd.s32 v1, v4;
	_ =	sdelay $0x1  }
0x1ba: {  	s25 =	simm.s32 $0x13400  }
0x1bb: {  	[tilespmem:s25], [sflag:$0x8] =	stream.indirect_vreg.gather [hbm4b:s8+s1], $0x80, v5, vm0, $0xb8;
	[tilespmem:$0x1DC00] =	vst v63  }
0x1bc: {  	s24 =	simm.s32 $0x14000  }
0x1bd: {  	[tilespmem:s24], [sflag:$0x8] =	stream.indirect_vreg.gather [hbm4b:s8+s1], $0x80, v4, vm0, $0xb8;
	[tilespmem:$0x1DC00] =	vst v63  }
0x1be: {  	v4 =	vld [tilespmem:s10+$0x20];
	_ =	sdelay $0x4  }
0x1bf: {  	v5 =	vshrl.u32 v4, $0x3  }
0x1c0: {  	v5 =	vmul.u32 $0x18, v5  }
0x1c1: {  	v4 =	vand.u32 $0x7, v4  }
0x1c2: {  	v4 =	vor.u32 v4, v5  }
0x1c3: {  	v5 =	vperm.xlane v4, v0;
	_ =	sdelay $0x1  }
0x1c4: {  	v4 =	vperm.xlane v4, v2;
	v5 =	vadd.s32 v1, v5;
	_ =	sdelay $0x1  }
0x1c5: {  	v4 =	vadd.s32 v1, v4;
	_ =	sdelay $0x1  }
0x1c6: {  	s25 =	simm.s32 $0x14C00  }
0x1c7: {  	[tilespmem:s25], [sflag:$0x8] =	stream.indirect_vreg.gather [hbm4b:s8+s1], $0x80, v5, vm0, $0xb8;
	[tilespmem:$0x1DC00] =	vst v63  }
0x1c8: {  	s24 =	simm.s32 $0x15800  }
0x1c9: {  	[tilespmem:s24], [sflag:$0x8] =	stream.indirect_vreg.gather [hbm4b:s8+s1], $0x80, v4, vm0, $0xb8;
	[tilespmem:$0x1DC00] =	vst v63  }
0x1ca: {  	v4 =	vld.msk [tilespmem:s10+$0x30], $0x3;
	_ =	sdelay $0x4  }
0x1cb: {  	v5 =	vshrl.u32 v4, $0x3  }
0x1cc: {  	v5 =	vmul.u32 $0x18, v5  }
0x1cd: {  	v4 =	vand.u32 $0x7, v4  }
0x1ce: {  	v4 =	vor.u32 v4, v5  }
0x1cf: {  	v4 =	vperm.xlane v4, v0;
	_ =	sdelay $0x1  }
0x1d0: {  	v4 =	vadd.s32 v1, v4;
	_ =	sdelay $0x3  }
0x1d1: {  	s25 =	simm.s32 $0x16400  }
0x1d2: {  	[tilespmem:s25], [sflag:$0x8] =	stream.indirect_vreg.gather [hbm4b:s8+s1], $0x80, v4, vm1, $0xb8;
	[tilespmem:$0x1DC00] =	vst v63  }
0x1d3: {  	s24 =	simm.s32 $0x1C000  }
0x1d4: {  	[tilespmem:s24], [sflag:$0xC] =	stream.indirect.gather [hbm4b:s5+s14], $0x80, s10, s14, $0xb8;
	[tilespmem:$0x1DC00] =	vst v63  }
0x1d5: {  	_ =	swait.ge [sflag:s11], $0x1900  }
0x1d6: {  	[sflag:s11] =	ssyncset.done $0x0  }
0x1d7: {  	[sflag:s11] =	ssyncadd.s32 $0xFFFFE700  }
0x1d8: {  	_ =	swait.ge [sflag:s7], $0x1900  }
0x1d9: {  	[sflag:s7] =	ssyncset.done $0x0  }
0x1da: {  	[sflag:s7] =	ssyncadd.s32 $0xFFFFE700  }
0x1db: {  	_ =	swait.ge [sflag:s9], $0x1900  }
0x1dc: {  	[sflag:s9] =	ssyncset.done $0x0  }
0x1dd: {  	s10 =	simm.s32 $0x18820;
	[sflag:s9] =	ssyncadd.s32 $0xFFFFE700  }
0x1de: {  	s25 =	simm.s32 $0x0;
	v4 =	vld [tilespmem:s10+$0xFFFFFFE0]  }
0x1df: {  	s24 =	smul.u32 $0x3000, s25;
	_ =	sdelay $0x1  }
0x1e0: {  	s12 =	sand.u32 $0x380, s1;
	s24 =	sshra.s32 s24, $0x2  }
0x1e1: {  	s24 =	sor.u32 s12, s24  }
0x1e2: {  	[tilespmem:s24+$0x7800] =	vst v4  }
0x1e3: {  	v5 =	vmov s1;
	v4 =	vld [tilespmem:s10+$0xFFFFFFF0]  }
0x1e4: {  	v6 =	vshrl.u32 v5, $0x3  }
0x1e5: {  	v5 =	vshll.u32 v5, $0x7;
	v6 =	vmul.u32 $0xC00, v6  }
0x1e6: {  	v5 =	vand.u32 $0x380, v5  }
0x1e7: {  	v5 =	vor.u32 v5, v6  }
0x1e8: {  	[tilespmem:s24+$0x7810] =	vst v4;
	v4 =	vor.u32 v3, v5  }
0x1e9: {  	v5 =	vld [tilespmem:s10+$0x0];
	v4 =	vadd.s32 $0x800, v4;
	_ =	sdelay $0x4  }
0x1ea: {  	s10 =	simm.s32 $0x188A0;
	[tilespmem:v4+s30+$0x0] =	vst.idx.msk $0xfff, v5  }
0x1eb: {  	s28 =	simm.s32 $0x0;
	s25 =	simm.s32 $0x2;
	s24 =	simm.s32 $0x1;
	v4 =	vld [tilespmem:s10+$0xFFFFFFE0]  }
.LBB2_5:
0x1ec: {  	p0 =	sne.s32 s25, $0x31;
	s28 =	smul.u32 $0x3000, s28  }
0x1ed: {  	s1 =	sadd.s32 $0x80, s1  }
0x1ee: {  	s12 =	sand.u32 $0x380, s1;
	s28 =	sshra.s32 s28, $0x2  }
0x1ef: {  	s12 =	sor.u32 s12, s28  }
0x1f0: {  	[tilespmem:s12+$0x7800] =	vst v4  }
0x1f1: {  	v5 =	vmov s24;
	s24 =	smov.u32 s25;
	v4 =	vld [tilespmem:s10+$0xFFFFFFF0]  }
0x1f2: {  	v6 =	vshrl.u32 v5, $0x3  }
0x1f3: {  	v5 =	vshll.u32 v5, $0x7;
	v6 =	vmul.u32 $0xC00, v6  }
0x1f4: {  	v5 =	vand.u32 $0x380, v5  }
0x1f5: {  	v5 =	vor.u32 v5, v6  }
0x1f6: {  	[tilespmem:s12+$0x7810] =	vst v4;
	v4 =	vor.u32 v3, v5  }
0x1f7: {  	v5 =	vld [tilespmem:s10+$0x0];
	v4 =	vadd.s32 $0x800, v4;
	_ =	sdelay $0x1  }
.Ltmp3:
0x1f8: {  	(pc) =	sbr.rel @p0 .LBB2_5-.Ltmp3, $3  }
0x1f9: {  	_ =	sdelay $0x1  }
0x1fa: {  	s10 =	sadd.s32 $0x80, s10;
	[tilespmem:v4+s30+$0x0] =	vst.idx.msk $0xfff, v5  }
0x1fb: {  	s25 =	sadd.s32 $0x1, s25;
	s28 =	sshrl.u32 s24, $0x3;
	v4 =	vld [tilespmem:s10+$0xFFFFFFE0]  }
0x1fc: {  	s12 =	smul.u32 $0x3000, s28  }
0x1fd: {  	s1 =	sadd.s32 $0x80, s1  }
0x1fe: {  	s1 =	sand.u32 $0x380, s1;
	s12 =	sshra.s32 s12, $0x2  }
0x1ff: {  	s1 =	sor.u32 s1, s12  }
0x200: {  	[tilespmem:s1+$0x7800] =	vst v4  }
0x201: {  	v5 =	vmov s24;
	v4 =	vld [tilespmem:s10+$0xFFFFFFF0]  }
0x202: {  	v6 =	vshrl.u32 v5, $0x3  }
0x203: {  	v5 =	vshll.u32 v5, $0x7;
	v6 =	vmul.u32 $0xC00, v6  }
0x204: {  	v5 =	vand.u32 $0x380, v5  }
0x205: {  	v5 =	vor.u32 v5, v6  }
0x206: {  	[tilespmem:s1+$0x7810] =	vst v4;
	v4 =	vor.u32 v3, v5  }
0x207: {  	s0 =	sadd.s32 s0, s4;
	v5 =	vld [tilespmem:s10+$0x0];
	v4 =	vadd.s32 $0x800, v4  }
0x208: {  	p0 =	seq.s32 s29, $0x1F;
	s0 =	smul.u32 $0xA80, s0  }
.Ltmp4:
0x209: {  	_ = 	snop;
	(pc) =	sbr.rel @p0 .LBB2_8-.Ltmp4, $4  }
0x20a: {  	_ = 	snop  }
0x20b: {  	s0 =	sadd.s32 s6, s0  }
0x20c: {  	s28 =	sadd.s32 $0xA80, s0;
	[tilespmem:v4+s30+$0x0] =	vst.idx.msk $0xfff, v5  }
0x20d: {  	[hbm4b:s28+s3] =	stream.linear.scatter [tilespmem:s30], [sflag:$0xE], $0x5400, $0x38;
	[tilespmem:$0x1DC00] =	vst v63  }
0x20e: {  	s10 =	simm.s32 $0xD  }
0x20f: {  	s1 =	smul.u32 $0x380, s29;
	_ =	swait.ge [sflag:s10], $0x5400  }
0x210: {  	[sflag:s10] =	ssyncset.done $0x0  }
0x211: {  	s1 =	sshra.s32 s1, $0x2;
	[sflag:s10] =	ssyncadd.s32 $0xFFFFAC00  }
0x212: {  	v4 =	vld [tilespmem:s1+$0xE0];
	_ =	sdelay $0x4  }
0x213: {  	v5 =	vshrl.u32 v4, $0x3  }
0x214: {  	v5 =	vmul.u32 $0x18, v5  }
0x215: {  	v4 =	vand.u32 $0x7, v4  }
0x216: {  	v4 =	vor.u32 v4, v5  }
0x217: {  	v5 =	vperm.xlane v4, v0;
	_ =	sdelay $0x1  }
0x218: {  	v4 =	vperm.xlane v4, v2;
	v5 =	vadd.s32 v1, v5;
	_ =	sdelay $0x1  }
0x219: {  	v4 =	vadd.s32 v1, v4;
	_ =	sdelay $0x2  }
0x21a: {  	[tilespmem:s13], [sflag:$0x1] =	stream.indirect_vreg.gather [hbm4b:s2+s3], $0x80, v5, vm0, $0xb8;
	[tilespmem:$0x1DC00] =	vst v63  }
0x21b: {  	s25 =	simm.s32 $0x2800  }
0x21c: {  	[tilespmem:s25], [sflag:$0x1] =	stream.indirect_vreg.gather [hbm4b:s2+s3], $0x80, v4, vm0, $0xb8;
	[tilespmem:$0x1DC00] =	vst v63  }
0x21d: {  	v4 =	vld [tilespmem:s1+$0xF0];
	_ =	sdelay $0x4  }
0x21e: {  	v5 =	vshrl.u32 v4, $0x3  }
0x21f: {  	v5 =	vmul.u32 $0x18, v5  }
0x220: {  	v4 =	vand.u32 $0x7, v4  }
0x221: {  	v4 =	vor.u32 v4, v5  }
0x222: {  	v5 =	vperm.xlane v4, v0;
	_ =	sdelay $0x1  }
0x223: {  	v4 =	vperm.xlane v4, v2;
	v5 =	vadd.s32 v1, v5;
	_ =	sdelay $0x1  }
0x224: {  	v4 =	vadd.s32 v1, v4;
	_ =	sdelay $0x1  }
0x225: {  	s28 =	simm.s32 $0x3400  }
0x226: {  	[tilespmem:s28], [sflag:$0x1] =	stream.indirect_vreg.gather [hbm4b:s2+s3], $0x80, v5, vm0, $0xb8;
	[tilespmem:$0x1DC00] =	vst v63  }
0x227: {  	s12 =	simm.s32 $0x4000  }
0x228: {  	[tilespmem:s12], [sflag:$0x1] =	stream.indirect_vreg.gather [hbm4b:s2+s3], $0x80, v4, vm0, $0xb8;
	[tilespmem:$0x1DC00] =	vst v63  }
0x229: {  	v4 =	vld [tilespmem:s1+$0x100];
	_ =	sdelay $0x4  }
0x22a: {  	v5 =	vshrl.u32 v4, $0x3  }
0x22b: {  	v5 =	vmul.u32 $0x18, v5  }
0x22c: {  	v4 =	vand.u32 $0x7, v4  }
0x22d: {  	v4 =	vor.u32 v4, v5  }
0x22e: {  	v5 =	vperm.xlane v4, v0;
	_ =	sdelay $0x1  }
0x22f: {  	v4 =	vperm.xlane v4, v2;
	v5 =	vadd.s32 v1, v5;
	_ =	sdelay $0x1  }
0x230: {  	v4 =	vadd.s32 v1, v4;
	_ =	sdelay $0x1  }
0x231: {  	s24 =	simm.s32 $0x4C00  }
0x232: {  	[tilespmem:s24], [sflag:$0x1] =	stream.indirect_vreg.gather [hbm4b:s2+s3], $0x80, v5, vm0, $0xb8;
	[tilespmem:$0x1DC00] =	vst v63  }
0x233: {  	s25 =	simm.s32 $0x5800  }
0x234: {  	[tilespmem:s25], [sflag:$0x1] =	stream.indirect_vreg.gather [hbm4b:s2+s3], $0x80, v4, vm0, $0xb8;
	[tilespmem:$0x1DC00] =	vst v63  }
0x235: {  	v4 =	vld.msk [tilespmem:s1+$0x110], $0x3;
	_ =	sdelay $0x4  }
0x236: {  	v5 =	vshrl.u32 v4, $0x3  }
0x237: {  	v5 =	vmul.u32 $0x18, v5  }
0x238: {  	v4 =	vand.u32 $0x7, v4  }
0x239: {  	v4 =	vor.u32 v4, v5  }
0x23a: {  	v4 =	vperm.xlane v4, v0;
	_ =	sdelay $0x1  }
0x23b: {  	v4 =	vadd.s32 v1, v4;
	_ =	sdelay $0x3  }
0x23c: {  	s28 =	simm.s32 $0x6400  }
0x23d: {  	[tilespmem:s28], [sflag:$0x1] =	stream.indirect_vreg.gather [hbm4b:s2+s3], $0x80, v4, vm1, $0xb8;
	[tilespmem:$0x1DC00] =	vst v63  }
0x23e: {  	v4 =	vld [tilespmem:s1+$0xE0];
	_ =	sdelay $0x4  }
0x23f: {  	v5 =	vshrl.u32 v4, $0x3  }
0x240: {  	v5 =	vmul.u32 $0x18, v5  }
0x241: {  	v4 =	vand.u32 $0x7, v4  }
0x242: {  	v4 =	vor.u32 v4, v5  }
0x243: {  	v5 =	vperm.xlane v4, v0;
	_ =	sdelay $0x1  }
0x244: {  	v4 =	vperm.xlane v4, v2;
	v5 =	vadd.s32 v1, v5;
	_ =	sdelay $0x1  }
0x245: {  	v4 =	vadd.s32 v1, v4;
	_ =	sdelay $0x1  }
0x246: {  	s12 =	simm.s32 $0x2000  }
0x247: {  	[tilespmem:s12], [sflag:$0x5] =	stream.indirect_vreg.gather [hbm4b:s8+s3], $0x80, v5, vm0, $0xb8;
	[tilespmem:$0x1DC00] =	vst v63  }
0x248: {  	s24 =	simm.s32 $0x2C00  }
0x249: {  	[tilespmem:s24], [sflag:$0x5] =	stream.indirect_vreg.gather [hbm4b:s8+s3], $0x80, v4, vm0, $0xb8;
	[tilespmem:$0x1DC00] =	vst v63  }
0x24a: {  	v4 =	vld [tilespmem:s1+$0xF0];
	_ =	sdelay $0x4  }
0x24b: {  	v5 =	vshrl.u32 v4, $0x3  }
0x24c: {  	v5 =	vmul.u32 $0x18, v5  }
0x24d: {  	v4 =	vand.u32 $0x7, v4  }
0x24e: {  	v4 =	vor.u32 v4, v5  }
0x24f: {  	v5 =	vperm.xlane v4, v0;
	_ =	sdelay $0x1  }
0x250: {  	v4 =	vperm.xlane v4, v2;
	v5 =	vadd.s32 v1, v5;
	_ =	sdelay $0x1  }
0x251: {  	v4 =	vadd.s32 v1, v4;
	_ =	sdelay $0x1  }
0x252: {  	s25 =	simm.s32 $0x3800  }
0x253: {  	[tilespmem:s25], [sflag:$0x5] =	stream.indirect_vreg.gather [hbm4b:s8+s3], $0x80, v5, vm0, $0xb8;
	[tilespmem:$0x1DC00] =	vst v63  }
0x254: {  	s28 =	simm.s32 $0x4400  }
0x255: {  	[tilespmem:s28], [sflag:$0x5] =	stream.indirect_vreg.gather [hbm4b:s8+s3], $0x80, v4, vm0, $0xb8;
	[tilespmem:$0x1DC00] =	vst v63  }
0x256: {  	v4 =	vld [tilespmem:s1+$0x100];
	_ =	sdelay $0x4  }
0x257: {  	v5 =	vshrl.u32 v4, $0x3  }
0x258: {  	v5 =	vmul.u32 $0x18, v5  }
0x259: {  	v4 =	vand.u32 $0x7, v4  }
0x25a: {  	v4 =	vor.u32 v4, v5  }
0x25b: {  	v5 =	vperm.xlane v4, v0;
	_ =	sdelay $0x1  }
0x25c: {  	v4 =	vperm.xlane v4, v2;
	v5 =	vadd.s32 v1, v5;
	_ =	sdelay $0x1  }
0x25d: {  	v4 =	vadd.s32 v1, v4;
	_ =	sdelay $0x1  }
0x25e: {  	s12 =	simm.s32 $0x5000  }
0x25f: {  	[tilespmem:s12], [sflag:$0x5] =	stream.indirect_vreg.gather [hbm4b:s8+s3], $0x80, v5, vm0, $0xb8;
	[tilespmem:$0x1DC00] =	vst v63  }
0x260: {  	s24 =	simm.s32 $0x5C00  }
0x261: {  	[tilespmem:s24], [sflag:$0x5] =	stream.indirect_vreg.gather [hbm4b:s8+s3], $0x80, v4, vm0, $0xb8;
	[tilespmem:$0x1DC00] =	vst v63  }
0x262: {  	v4 =	vld.msk [tilespmem:s1+$0x110], $0x3;
	_ =	sdelay $0x4  }
0x263: {  	v5 =	vshrl.u32 v4, $0x3  }
0x264: {  	v5 =	vmul.u32 $0x18, v5  }
0x265: {  	v4 =	vand.u32 $0x7, v4  }
0x266: {  	v4 =	vor.u32 v4, v5  }
0x267: {  	v4 =	vperm.xlane v4, v0;
	_ =	sdelay $0x1  }
0x268: {  	v4 =	vadd.s32 v1, v4;
	_ =	sdelay $0x3  }
0x269: {  	s25 =	simm.s32 $0x6800  }
0x26a: {  	[tilespmem:s25], [sflag:$0x5] =	stream.indirect_vreg.gather [hbm4b:s8+s3], $0x80, v4, vm1, $0xb8;
	[tilespmem:$0x1DC00] =	vst v63  }
0x26b: {  	s28 =	simm.s32 $0x16C00;
	s1 =	sadd.s32 $0xE0, s1  }
0x26c: {  	[tilespmem:s28], [sflag:$0x9] =	stream.indirect.gather [hbm4b:s5+s14], $0x80, s1, s14, $0xb8;
	[tilespmem:$0x1DC00] =	vst v63  }
.LBB2_8:
0x26d: {  	_ =	swait.ge [sflag:s17], $0x1900  }
0x26e: {  	[sflag:s17] =	ssyncset.done $0x0  }
0x26f: {  	[sflag:s17] =	ssyncadd.s32 $0xFFFFE700  }
0x270: {  	_ =	swait.ge [sflag:s18], $0x1900  }
0x271: {  	[sflag:s18] =	ssyncset.done $0x0  }
0x272: {  	[sflag:s18] =	ssyncadd.s32 $0xFFFFE700  }
0x273: {  	_ =	swait.ge [sflag:s19], $0x1900  }
0x274: {  	[sflag:s19] =	ssyncset.done $0x0  }
0x275: {  	s10 =	simm.s32 $0x1A420;
	[sflag:s19] =	ssyncadd.s32 $0xFFFFE700  }
0x276: {  	s1 =	simm.s32 $0x0;
	v4 =	vld [tilespmem:s10+$0xFFFFFFE0]  }
0x277: {  	s12 =	smul.u32 $0x3000, s1  }
0x278: {  	s1 =	simm.s32 $0x0  }
0x279: {  	s24 =	sand.u32 $0x380, s1;
	s12 =	sshra.s32 s12, $0x2  }
0x27a: {  	s12 =	sor.u32 s24, s12  }
0x27b: {  	[tilespmem:s12+$0xCC00] =	vst v4  }
0x27c: {  	v5 =	vmov s1;
	v4 =	vld [tilespmem:s10+$0xFFFFFFF0]  }
0x27d: {  	v6 =	vshrl.u32 v5, $0x3  }
0x27e: {  	v5 =	vshll.u32 v5, $0x7;
	v6 =	vmul.u32 $0xC00, v6  }
0x27f: {  	v5 =	vand.u32 $0x380, v5  }
0x280: {  	v5 =	vor.u32 v5, v6  }
0x281: {  	[tilespmem:s12+$0xCC10] =	vst v4;
	v4 =	vor.u32 v3, v5  }
0x282: {  	v5 =	vld [tilespmem:s10+$0x0];
	v4 =	vadd.s32 $0x800, v4;
	_ =	sdelay $0x4  }
0x283: {  	s10 =	simm.s32 $0x1A4A0;
	[tilespmem:v4+s20+$0x0] =	vst.idx.msk $0xfff, v5  }
0x284: {  	s28 =	simm.s32 $0x0;
	s25 =	simm.s32 $0x2;
	s24 =	simm.s32 $0x1;
	v4 =	vld [tilespmem:s10+$0xFFFFFFE0]  }
.LBB2_9:
0x285: {  	p1 =	sne.s32 s25, $0x31;
	s12 =	smul.u32 $0x3000, s28  }
0x286: {  	s1 =	sadd.s32 $0x80, s1  }
0x287: {  	s28 =	sand.u32 $0x380, s1;
	s12 =	sshra.s32 s12, $0x2  }
0x288: {  	s12 =	sor.u32 s28, s12  }
0x289: {  	[tilespmem:s12+$0xCC00] =	vst v4  }
0x28a: {  	v5 =	vmov s24;
	s24 =	smov.u32 s25;
	v4 =	vld [tilespmem:s10+$0xFFFFFFF0]  }
0x28b: {  	v6 =	vshrl.u32 v5, $0x3  }
0x28c: {  	v5 =	vshll.u32 v5, $0x7;
	v6 =	vmul.u32 $0xC00, v6  }
0x28d: {  	v5 =	vand.u32 $0x380, v5  }
0x28e: {  	v5 =	vor.u32 v5, v6  }
0x28f: {  	[tilespmem:s12+$0xCC10] =	vst v4;
	v4 =	vor.u32 v3, v5  }
0x290: {  	v5 =	vld [tilespmem:s10+$0x0];
	v4 =	vadd.s32 $0x800, v4;
	_ =	sdelay $0x1  }
.Ltmp5:
0x291: {  	(pc) =	sbr.rel @p1 .LBB2_9-.Ltmp5, $3  }
0x292: {  	_ =	sdelay $0x1  }
0x293: {  	s10 =	sadd.s32 $0x80, s10;
	[tilespmem:v4+s20+$0x0] =	vst.idx.msk $0xfff, v5  }
0x294: {  	s25 =	sadd.s32 $0x1, s25;
	s28 =	sshrl.u32 s24, $0x3;
	v4 =	vld [tilespmem:s10+$0xFFFFFFE0]  }
0x295: {  	s12 =	smul.u32 $0x3000, s28  }
0x296: {  	s1 =	sadd.s32 $0x80, s1  }
0x297: {  	s1 =	sand.u32 $0x380, s1;
	s12 =	sshra.s32 s12, $0x2  }
0x298: {  	s1 =	sor.u32 s1, s12  }
0x299: {  	[tilespmem:s1+$0xCC00] =	vst v4  }
0x29a: {  	v5 =	vmov s24;
	v4 =	vld [tilespmem:s10+$0xFFFFFFF0]  }
0x29b: {  	v6 =	vshrl.u32 v5, $0x3  }
0x29c: {  	v5 =	vshll.u32 v5, $0x7;
	v6 =	vmul.u32 $0xC00, v6  }
0x29d: {  	v5 =	vand.u32 $0x380, v5  }
0x29e: {  	v5 =	vor.u32 v5, v6  }
0x29f: {  	[tilespmem:s1+$0xCC10] =	vst v4;
	v4 =	vor.u32 v3, v5  }
0x2a0: {  	v5 =	vld [tilespmem:s10+$0x0];
	v4 =	vadd.s32 $0x800, v4;
	_ =	sdelay $0x1  }
.Ltmp6:
0x2a1: {  	_ = 	snop;
	(pc) =	sbr.rel @p0 .LBB2_12-.Ltmp6, $3  }
0x2a2: {  	_ =	sdelay $0x1  }
0x2a3: {  	s0 =	sadd.s32 $0x1500, s0;
	[tilespmem:v4+s20+$0x0] =	vst.idx.msk $0xfff, v5  }
0x2a4: {  	[hbm4b:s0+s3] =	stream.linear.scatter [tilespmem:s20], [sflag:$0xF], $0x5400, $0x38;
	[tilespmem:$0x1DC00] =	vst v63  }
0x2a5: {  	s1 =	simm.s32 $0xE  }
0x2a6: {  	s0 =	smul.u32 $0x380, s29;
	_ =	swait.ge [sflag:s1], $0x5400  }
0x2a7: {  	[sflag:s1] =	ssyncset.done $0x0  }
0x2a8: {  	s0 =	sshra.s32 s0, $0x2;
	[sflag:s1] =	ssyncadd.s32 $0xFFFFAC00  }
0x2a9: {  	v4 =	vld [tilespmem:s0+$0x118];
	_ =	sdelay $0x4  }
0x2aa: {  	v5 =	vshrl.u32 v4, $0x3  }
0x2ab: {  	v5 =	vmul.u32 $0x18, v5  }
0x2ac: {  	v4 =	vand.u32 $0x7, v4  }
0x2ad: {  	v4 =	vor.u32 v4, v5  }
0x2ae: {  	v5 =	vperm.xlane v4, v0;
	_ =	sdelay $0x1  }
0x2af: {  	v4 =	vperm.xlane v4, v2;
	v5 =	vadd.s32 v1, v5;
	_ =	sdelay $0x1  }
0x2b0: {  	v4 =	vadd.s32 v1, v4;
	_ =	sdelay $0x2  }
0x2b1: {  	[tilespmem:s30], [sflag:$0x2] =	stream.indirect_vreg.gather [hbm4b:s2+s3], $0x80, v5, vm0, $0xb8;
	[tilespmem:$0x1DC00] =	vst v63  }
0x2b2: {  	s12 =	simm.s32 $0x7C00  }
0x2b3: {  	[tilespmem:s12], [sflag:$0x2] =	stream.indirect_vreg.gather [hbm4b:s2+s3], $0x80, v4, vm0, $0xb8;
	[tilespmem:$0x1DC00] =	vst v63  }
0x2b4: {  	v4 =	vld [tilespmem:s0+$0x128];
	_ =	sdelay $0x4  }
0x2b5: {  	v5 =	vshrl.u32 v4, $0x3  }
0x2b6: {  	v5 =	vmul.u32 $0x18, v5  }
0x2b7: {  	v4 =	vand.u32 $0x7, v4  }
0x2b8: {  	v4 =	vor.u32 v4, v5  }
0x2b9: {  	v5 =	vperm.xlane v4, v0;
	_ =	sdelay $0x1  }
0x2ba: {  	v4 =	vperm.xlane v4, v2;
	v5 =	vadd.s32 v1, v5;
	_ =	sdelay $0x1  }
0x2bb: {  	v4 =	vadd.s32 v1, v4;
	_ =	sdelay $0x1  }
0x2bc: {  	s24 =	simm.s32 $0x8800  }
0x2bd: {  	[tilespmem:s24], [sflag:$0x2] =	stream.indirect_vreg.gather [hbm4b:s2+s3], $0x80, v5, vm0, $0xb8;
	[tilespmem:$0x1DC00] =	vst v63  }
0x2be: {  	s25 =	simm.s32 $0x9400  }
0x2bf: {  	[tilespmem:s25], [sflag:$0x2] =	stream.indirect_vreg.gather [hbm4b:s2+s3], $0x80, v4, vm0, $0xb8;
	[tilespmem:$0x1DC00] =	vst v63  }
0x2c0: {  	v4 =	vld [tilespmem:s0+$0x138];
	_ =	sdelay $0x4  }
0x2c1: {  	v5 =	vshrl.u32 v4, $0x3  }
0x2c2: {  	v5 =	vmul.u32 $0x18, v5  }
0x2c3: {  	v4 =	vand.u32 $0x7, v4  }
0x2c4: {  	v4 =	vor.u32 v4, v5  }
0x2c5: {  	v5 =	vperm.xlane v4, v0;
	_ =	sdelay $0x1  }
0x2c6: {  	v4 =	vperm.xlane v4, v2;
	v5 =	vadd.s32 v1, v5;
	_ =	sdelay $0x1  }
0x2c7: {  	v4 =	vadd.s32 v1, v4;
	_ =	sdelay $0x1  }
0x2c8: {  	s28 =	simm.s32 $0xA000  }
0x2c9: {  	[tilespmem:s28], [sflag:$0x2] =	stream.indirect_vreg.gather [hbm4b:s2+s3], $0x80, v5, vm0, $0xb8;
	[tilespmem:$0x1DC00] =	vst v63  }
0x2ca: {  	s10 =	simm.s32 $0xAC00  }
0x2cb: {  	[tilespmem:s10], [sflag:$0x2] =	stream.indirect_vreg.gather [hbm4b:s2+s3], $0x80, v4, vm0, $0xb8;
	[tilespmem:$0x1DC00] =	vst v63  }
0x2cc: {  	v4 =	vld.msk [tilespmem:s0+$0x148], $0x3;
	_ =	sdelay $0x4  }
0x2cd: {  	v5 =	vshrl.u32 v4, $0x3  }
0x2ce: {  	v5 =	vmul.u32 $0x18, v5  }
0x2cf: {  	v4 =	vand.u32 $0x7, v4  }
0x2d0: {  	v4 =	vor.u32 v4, v5  }
0x2d1: {  	v4 =	vperm.xlane v4, v0;
	_ =	sdelay $0x1  }
0x2d2: {  	v4 =	vadd.s32 v1, v4;
	_ =	sdelay $0x3  }
0x2d3: {  	s12 =	simm.s32 $0xB800  }
0x2d4: {  	[tilespmem:s12], [sflag:$0x2] =	stream.indirect_vreg.gather [hbm4b:s2+s3], $0x80, v4, vm1, $0xb8;
	[tilespmem:$0x1DC00] =	vst v63  }
0x2d5: {  	v4 =	vld [tilespmem:s0+$0x118];
	_ =	sdelay $0x4  }
0x2d6: {  	v5 =	vshrl.u32 v4, $0x3  }
0x2d7: {  	v5 =	vmul.u32 $0x18, v5  }
0x2d8: {  	v4 =	vand.u32 $0x7, v4  }
0x2d9: {  	v4 =	vor.u32 v4, v5  }
0x2da: {  	v5 =	vperm.xlane v4, v0;
	_ =	sdelay $0x1  }
0x2db: {  	v4 =	vperm.xlane v4, v2;
	v5 =	vadd.s32 v1, v5;
	_ =	sdelay $0x1  }
0x2dc: {  	v4 =	vadd.s32 v1, v4;
	_ =	sdelay $0x1  }
0x2dd: {  	s24 =	simm.s32 $0x7400  }
0x2de: {  	[tilespmem:s24], [sflag:$0x6] =	stream.indirect_vreg.gather [hbm4b:s8+s3], $0x80, v5, vm0, $0xb8;
	[tilespmem:$0x1DC00] =	vst v63  }
0x2df: {  	s25 =	simm.s32 $0x8000  }
0x2e0: {  	[tilespmem:s25], [sflag:$0x6] =	stream.indirect_vreg.gather [hbm4b:s8+s3], $0x80, v4, vm0, $0xb8;
	[tilespmem:$0x1DC00] =	vst v63  }
0x2e1: {  	v4 =	vld [tilespmem:s0+$0x128];
	_ =	sdelay $0x4  }
0x2e2: {  	v5 =	vshrl.u32 v4, $0x3  }
0x2e3: {  	v5 =	vmul.u32 $0x18, v5  }
0x2e4: {  	v4 =	vand.u32 $0x7, v4  }
0x2e5: {  	v4 =	vor.u32 v4, v5  }
0x2e6: {  	v5 =	vperm.xlane v4, v0;
	_ =	sdelay $0x1  }
0x2e7: {  	v4 =	vperm.xlane v4, v2;
	v5 =	vadd.s32 v1, v5;
	_ =	sdelay $0x1  }
0x2e8: {  	v4 =	vadd.s32 v1, v4;
	_ =	sdelay $0x1  }
0x2e9: {  	s28 =	simm.s32 $0x8C00  }
0x2ea: {  	[tilespmem:s28], [sflag:$0x6] =	stream.indirect_vreg.gather [hbm4b:s8+s3], $0x80, v5, vm0, $0xb8;
	[tilespmem:$0x1DC00] =	vst v63  }
0x2eb: {  	s10 =	simm.s32 $0x9800  }
0x2ec: {  	[tilespmem:s10], [sflag:$0x6] =	stream.indirect_vreg.gather [hbm4b:s8+s3], $0x80, v4, vm0, $0xb8;
	[tilespmem:$0x1DC00] =	vst v63  }
0x2ed: {  	v4 =	vld [tilespmem:s0+$0x138];
	_ =	sdelay $0x4  }
0x2ee: {  	v5 =	vshrl.u32 v4, $0x3  }
0x2ef: {  	v5 =	vmul.u32 $0x18, v5  }
0x2f0: {  	v4 =	vand.u32 $0x7, v4  }
0x2f1: {  	v4 =	vor.u32 v4, v5  }
0x2f2: {  	v5 =	vperm.xlane v4, v0;
	_ =	sdelay $0x1  }
0x2f3: {  	v4 =	vperm.xlane v4, v2;
	v5 =	vadd.s32 v1, v5;
	_ =	sdelay $0x1  }
0x2f4: {  	v4 =	vadd.s32 v1, v4;
	_ =	sdelay $0x1  }
0x2f5: {  	s12 =	simm.s32 $0xA400  }
0x2f6: {  	[tilespmem:s12], [sflag:$0x6] =	stream.indirect_vreg.gather [hbm4b:s8+s3], $0x80, v5, vm0, $0xb8;
	[tilespmem:$0x1DC00] =	vst v63  }
0x2f7: {  	s24 =	simm.s32 $0xB000  }
0x2f8: {  	[tilespmem:s24], [sflag:$0x6] =	stream.indirect_vreg.gather [hbm4b:s8+s3], $0x80, v4, vm0, $0xb8;
	[tilespmem:$0x1DC00] =	vst v63  }
0x2f9: {  	v4 =	vld.msk [tilespmem:s0+$0x148], $0x3;
	_ =	sdelay $0x4  }
0x2fa: {  	v5 =	vshrl.u32 v4, $0x3  }
0x2fb: {  	v5 =	vmul.u32 $0x18, v5  }
0x2fc: {  	v4 =	vand.u32 $0x7, v4  }
0x2fd: {  	v4 =	vor.u32 v4, v5  }
0x2fe: {  	v4 =	vperm.xlane v4, v0;
	_ =	sdelay $0x1  }
0x2ff: {  	v4 =	vadd.s32 v1, v4;
	_ =	sdelay $0x3  }
0x300: {  	s25 =	simm.s32 $0xBC00  }
0x301: {  	[tilespmem:s25], [sflag:$0x6] =	stream.indirect_vreg.gather [hbm4b:s8+s3], $0x80, v4, vm1, $0xb8;
	[tilespmem:$0x1DC00] =	vst v63  }
0x302: {  	s28 =	simm.s32 $0x18800;
	s0 =	sadd.s32 $0x118, s0  }
0x303: {  	[tilespmem:s28], [sflag:$0xA] =	stream.indirect.gather [hbm4b:s5+s14], $0x80, s0, s14, $0xb8;
	[tilespmem:$0x1DC00] =	vst v63  }
.LBB2_12:
0x304: {  	_ =	swait.ge [sflag:s21], $0x1900  }
0x305: {  	[sflag:s21] =	ssyncset.done $0x0  }
0x306: {  	[sflag:s21] =	ssyncadd.s32 $0xFFFFE700  }
0x307: {  	_ =	swait.ge [sflag:s22], $0x1900  }
0x308: {  	[sflag:s22] =	ssyncset.done $0x0  }
0x309: {  	[sflag:s22] =	ssyncadd.s32 $0xFFFFE700  }
0x30a: {  	_ =	swait.ge [sflag:s23], $0x1900  }
0x30b: {  	[sflag:s23] =	ssyncset.done $0x0  }
0x30c: {  	s1 =	simm.s32 $0x1C020;
	[sflag:s23] =	ssyncadd.s32 $0xFFFFE700  }
0x30d: {  	s0 =	simm.s32 $0x0;
	v4 =	vld [tilespmem:s1+$0xFFFFFFE0]  }
0x30e: {  	s10 =	smul.u32 $0x3000, s0  }
0x30f: {  	s0 =	simm.s32 $0x0  }
0x310: {  	s12 =	sand.u32 $0x380, s0;
	s10 =	sshra.s32 s10, $0x2  }
0x311: {  	s10 =	sor.u32 s12, s10  }
0x312: {  	[tilespmem:s10+$0x12000] =	vst v4  }
0x313: {  	v5 =	vmov s0;
	v4 =	vld [tilespmem:s1+$0xFFFFFFF0]  }
0x314: {  	v6 =	vshrl.u32 v5, $0x3  }
0x315: {  	v5 =	vshll.u32 v5, $0x7;
	v6 =	vmul.u32 $0xC00, v6  }
0x316: {  	v5 =	vand.u32 $0x380, v5  }
0x317: {  	v5 =	vor.u32 v5, v6;
	s10 =	sadd.s32 $0x12000, s10  }
0x318: {  	[tilespmem:s10+$0x10] =	vst v4;
	v4 =	vor.u32 v3, v5  }
0x319: {  	v5 =	vld [tilespmem:s1+$0x0];
	v4 =	vadd.s32 $0x800, v4;
	_ =	sdelay $0x4  }
0x31a: {  	s1 =	simm.s32 $0x1C0A0;
	[tilespmem:v4+s16+$0x0] =	vst.idx.msk $0xfff, v5  }
0x31b: {  	s25 =	simm.s32 $0x0;
	s24 =	simm.s32 $0x2;
	s10 =	simm.s32 $0x1;
	v4 =	vld [tilespmem:s1+$0xFFFFFFE0]  }
.LBB2_13:
0x31c: {  	p1 =	sne.s32 s24, $0x31;
	s12 =	smul.u32 $0x3000, s25  }
0x31d: {  	s0 =	sadd.s32 $0x80, s0  }
0x31e: {  	s25 =	sand.u32 $0x380, s0;
	s12 =	sshra.s32 s12, $0x2  }
0x31f: {  	s12 =	sor.u32 s25, s12  }
0x320: {  	[tilespmem:s12+$0x12000] =	vst v4  }
0x321: {  	v5 =	vmov s10;
	s10 =	smov.u32 s24;
	v4 =	vld [tilespmem:s1+$0xFFFFFFF0]  }
0x322: {  	v6 =	vshrl.u32 v5, $0x3  }
0x323: {  	v5 =	vshll.u32 v5, $0x7;
	v6 =	vmul.u32 $0xC00, v6  }
0x324: {  	v5 =	vand.u32 $0x380, v5  }
0x325: {  	s12 =	sadd.s32 $0x12000, s12;
	v5 =	vor.u32 v5, v6  }
0x326: {  	[tilespmem:s12+$0x10] =	vst v4;
	v4 =	vor.u32 v3, v5  }
0x327: {  	v5 =	vld [tilespmem:s1+$0x0];
	v4 =	vadd.s32 $0x800, v4;
	_ =	sdelay $0x1  }
.Ltmp7:
0x328: {  	(pc) =	sbr.rel @p1 .LBB2_13-.Ltmp7, $3  }
0x329: {  	_ =	sdelay $0x1  }
0x32a: {  	s1 =	sadd.s32 $0x80, s1;
	[tilespmem:v4+s16+$0x0] =	vst.idx.msk $0xfff, v5  }
0x32b: {  	s24 =	sadd.s32 $0x1, s24;
	s25 =	sshrl.u32 s10, $0x3;
	v4 =	vld [tilespmem:s1+$0xFFFFFFE0]  }
0x32c: {  	s12 =	smul.u32 $0x3000, s25  }
0x32d: {  	s0 =	sadd.s32 $0x80, s0  }
0x32e: {  	s0 =	sand.u32 $0x380, s0;
	s12 =	sshra.s32 s12, $0x2  }
0x32f: {  	s0 =	sor.u32 s0, s12  }
0x330: {  	[tilespmem:s0+$0x12000] =	vst v4  }
0x331: {  	v5 =	vmov s10;
	v4 =	vld [tilespmem:s1+$0xFFFFFFF0]  }
0x332: {  	v6 =	vshrl.u32 v5, $0x3  }
0x333: {  	v5 =	vshll.u32 v5, $0x7;
	v6 =	vmul.u32 $0xC00, v6  }
0x334: {  	v5 =	vand.u32 $0x380, v5  }
0x335: {  	s0 =	sadd.s32 $0x12000, s0;
	v5 =	vor.u32 v5, v6  }
0x336: {  	[tilespmem:s0+$0x10] =	vst v4;
	v4 =	vor.u32 v3, v5  }
0x337: {  	v5 =	vld [tilespmem:s1+$0x0];
	v4 =	vadd.s32 $0x800, v4;
	_ =	sdelay $0x1  }
.Ltmp8:
0x338: {  	s31 =	sadd.s32 s4, s31;
	(pc) =	sbr.rel @p0 .LBB2_16-.Ltmp8, $3  }
0x339: {  	s0 =	smul.u32 $0xA80, s31;
	_ =	sdelay $0x1  }
0x33a: {  	s0 =	sadd.s32 s6, s0;
	[tilespmem:v4+s16+$0x0] =	vst.idx.msk $0xfff, v5  }
0x33b: {  	[hbm4b:s0+s3] =	stream.linear.scatter [tilespmem:s16], [sflag:$0x10], $0x5400, $0x38;
	[tilespmem:$0x1DC00] =	vst v63  }
0x33c: {  	_ =	swait.ge [sflag:s26], $0x5400;
	s0 =	smul.u32 $0x380, s29  }
0x33d: {  	[sflag:s26] =	ssyncset.done $0x0  }
0x33e: {  	[sflag:s26] =	ssyncadd.s32 $0xFFFFAC00;
	s0 =	sshra.s32 s0, $0x2  }
0x33f: {  	v4 =	vld [tilespmem:s0+$0x150];
	_ =	sdelay $0x4  }
0x340: {  	v5 =	vshrl.u32 v4, $0x3  }
0x341: {  	v5 =	vmul.u32 $0x18, v5  }
0x342: {  	v4 =	vand.u32 $0x7, v4  }
0x343: {  	v4 =	vor.u32 v4, v5  }
0x344: {  	v5 =	vperm.xlane v4, v0;
	_ =	sdelay $0x1  }
0x345: {  	v4 =	vperm.xlane v4, v2;
	v5 =	vadd.s32 v1, v5;
	_ =	sdelay $0x1  }
0x346: {  	v4 =	vadd.s32 v1, v4;
	_ =	sdelay $0x2  }
0x347: {  	[tilespmem:s20], [sflag:$0x3] =	stream.indirect_vreg.gather [hbm4b:s2+s3], $0x80, v5, vm0, $0xb8;
	[tilespmem:$0x1DC00] =	vst v63  }
0x348: {  	s1 =	simm.s32 $0xD000  }
0x349: {  	[tilespmem:s1], [sflag:$0x3] =	stream.indirect_vreg.gather [hbm4b:s2+s3], $0x80, v4, vm0, $0xb8;
	[tilespmem:$0x1DC00] =	vst v63  }
0x34a: {  	v4 =	vld [tilespmem:s0+$0x160];
	_ =	sdelay $0x4  }
0x34b: {  	v5 =	vshrl.u32 v4, $0x3  }
0x34c: {  	v5 =	vmul.u32 $0x18, v5  }
0x34d: {  	v4 =	vand.u32 $0x7, v4  }
0x34e: {  	v4 =	vor.u32 v4, v5  }
0x34f: {  	v5 =	vperm.xlane v4, v0;
	_ =	sdelay $0x1  }
0x350: {  	v4 =	vperm.xlane v4, v2;
	v5 =	vadd.s32 v1, v5;
	_ =	sdelay $0x1  }
0x351: {  	v4 =	vadd.s32 v1, v4;
	_ =	sdelay $0x1  }
0x352: {  	s31 =	simm.s32 $0xDC00  }
0x353: {  	[tilespmem:s31], [sflag:$0x3] =	stream.indirect_vreg.gather [hbm4b:s2+s3], $0x80, v5, vm0, $0xb8;
	[tilespmem:$0x1DC00] =	vst v63  }
0x354: {  	s10 =	simm.s32 $0xE800  }
0x355: {  	[tilespmem:s10], [sflag:$0x3] =	stream.indirect_vreg.gather [hbm4b:s2+s3], $0x80, v4, vm0, $0xb8;
	[tilespmem:$0x1DC00] =	vst v63  }
0x356: {  	v4 =	vld [tilespmem:s0+$0x170];
	_ =	sdelay $0x4  }
0x357: {  	v5 =	vshrl.u32 v4, $0x3  }
0x358: {  	v5 =	vmul.u32 $0x18, v5  }
0x359: {  	v4 =	vand.u32 $0x7, v4  }
0x35a: {  	v4 =	vor.u32 v4, v5  }
0x35b: {  	v5 =	vperm.xlane v4, v0;
	_ =	sdelay $0x1  }
0x35c: {  	v4 =	vperm.xlane v4, v2;
	v5 =	vadd.s32 v1, v5;
	_ =	sdelay $0x1  }
0x35d: {  	v4 =	vadd.s32 v1, v4;
	_ =	sdelay $0x1  }
0x35e: {  	s12 =	simm.s32 $0xF400  }
0x35f: {  	[tilespmem:s12], [sflag:$0x3] =	stream.indirect_vreg.gather [hbm4b:s2+s3], $0x80, v5, vm0, $0xb8;
	[tilespmem:$0x1DC00] =	vst v63  }
0x360: {  	s24 =	simm.s32 $0x10000  }
0x361: {  	[tilespmem:s24], [sflag:$0x3] =	stream.indirect_vreg.gather [hbm4b:s2+s3], $0x80, v4, vm0, $0xb8;
	[tilespmem:$0x1DC00] =	vst v63  }
0x362: {  	v4 =	vld.msk [tilespmem:s0+$0x180], $0x3;
	_ =	sdelay $0x4  }
0x363: {  	v5 =	vshrl.u32 v4, $0x3  }
0x364: {  	v5 =	vmul.u32 $0x18, v5  }
0x365: {  	v4 =	vand.u32 $0x7, v4  }
0x366: {  	v4 =	vor.u32 v4, v5  }
0x367: {  	v4 =	vperm.xlane v4, v0;
	_ =	sdelay $0x1  }
0x368: {  	v4 =	vadd.s32 v1, v4;
	_ =	sdelay $0x3  }
0x369: {  	s25 =	simm.s32 $0x10C00  }
0x36a: {  	[tilespmem:s25], [sflag:$0x3] =	stream.indirect_vreg.gather [hbm4b:s2+s3], $0x80, v4, vm1, $0xb8;
	[tilespmem:$0x1DC00] =	vst v63  }
0x36b: {  	v4 =	vld [tilespmem:s0+$0x150];
	_ =	sdelay $0x4  }
0x36c: {  	v5 =	vshrl.u32 v4, $0x3  }
0x36d: {  	v5 =	vmul.u32 $0x18, v5  }
0x36e: {  	v4 =	vand.u32 $0x7, v4  }
0x36f: {  	v4 =	vor.u32 v4, v5  }
0x370: {  	v5 =	vperm.xlane v4, v0;
	_ =	sdelay $0x1  }
0x371: {  	v4 =	vperm.xlane v4, v2;
	v5 =	vadd.s32 v1, v5;
	_ =	sdelay $0x1  }
0x372: {  	v4 =	vadd.s32 v1, v4;
	_ =	sdelay $0x1  }
0x373: {  	s28 =	simm.s32 $0xC800  }
0x374: {  	[tilespmem:s28], [sflag:$0x7] =	stream.indirect_vreg.gather [hbm4b:s8+s3], $0x80, v5, vm0, $0xb8;
	[tilespmem:$0x1DC00] =	vst v63  }
0x375: {  	s31 =	simm.s32 $0xD400  }
0x376: {  	[tilespmem:s31], [sflag:$0x7] =	stream.indirect_vreg.gather [hbm4b:s8+s3], $0x80, v4, vm0, $0xb8;
	[tilespmem:$0x1DC00] =	vst v63  }
0x377: {  	v4 =	vld [tilespmem:s0+$0x160];
	_ =	sdelay $0x4  }
0x378: {  	v5 =	vshrl.u32 v4, $0x3  }
0x379: {  	v5 =	vmul.u32 $0x18, v5  }
0x37a: {  	v4 =	vand.u32 $0x7, v4  }
0x37b: {  	v4 =	vor.u32 v4, v5  }
0x37c: {  	v5 =	vperm.xlane v4, v0;
	_ =	sdelay $0x1  }
0x37d: {  	v4 =	vperm.xlane v4, v2;
	v5 =	vadd.s32 v1, v5;
	_ =	sdelay $0x1  }
0x37e: {  	v4 =	vadd.s32 v1, v4;
	_ =	sdelay $0x1  }
0x37f: {  	s10 =	simm.s32 $0xE000  }
0x380: {  	[tilespmem:s10], [sflag:$0x7] =	stream.indirect_vreg.gather [hbm4b:s8+s3], $0x80, v5, vm0, $0xb8;
	[tilespmem:$0x1DC00] =	vst v63  }
0x381: {  	s12 =	simm.s32 $0xEC00  }
0x382: {  	[tilespmem:s12], [sflag:$0x7] =	stream.indirect_vreg.gather [hbm4b:s8+s3], $0x80, v4, vm0, $0xb8;
	[tilespmem:$0x1DC00] =	vst v63  }
0x383: {  	v4 =	vld [tilespmem:s0+$0x170];
	_ =	sdelay $0x4  }
0x384: {  	v5 =	vshrl.u32 v4, $0x3  }
0x385: {  	v5 =	vmul.u32 $0x18, v5  }
0x386: {  	v4 =	vand.u32 $0x7, v4  }
0x387: {  	v4 =	vor.u32 v4, v5  }
0x388: {  	v5 =	vperm.xlane v4, v0;
	_ =	sdelay $0x1  }
0x389: {  	v4 =	vperm.xlane v4, v2;
	v5 =	vadd.s32 v1, v5;
	_ =	sdelay $0x1  }
0x38a: {  	v4 =	vadd.s32 v1, v4;
	_ =	sdelay $0x1  }
0x38b: {  	s24 =	simm.s32 $0xF800  }
0x38c: {  	[tilespmem:s24], [sflag:$0x7] =	stream.indirect_vreg.gather [hbm4b:s8+s3], $0x80, v5, vm0, $0xb8;
	[tilespmem:$0x1DC00] =	vst v63  }
0x38d: {  	s25 =	simm.s32 $0x10400  }
0x38e: {  	[tilespmem:s25], [sflag:$0x7] =	stream.indirect_vreg.gather [hbm4b:s8+s3], $0x80, v4, vm0, $0xb8;
	[tilespmem:$0x1DC00] =	vst v63  }
0x38f: {  	v4 =	vld.msk [tilespmem:s0+$0x180], $0x3;
	_ =	sdelay $0x4  }
0x390: {  	v5 =	vshrl.u32 v4, $0x3  }
0x391: {  	v5 =	vmul.u32 $0x18, v5  }
0x392: {  	v4 =	vand.u32 $0x7, v4  }
0x393: {  	v4 =	vor.u32 v4, v5  }
0x394: {  	v4 =	vperm.xlane v4, v0;
	_ =	sdelay $0x1  }
0x395: {  	v4 =	vadd.s32 v1, v4;
	_ =	sdelay $0x2  }
.Ltmp9:
0x396: {  	_ = 	snop;
	(pc) =	sbr.rel .LBB2_2-.Ltmp9, $4  }
0x397: {  	s28 =	simm.s32 $0x11000  }
0x398: {  	[tilespmem:s28], [sflag:$0x7] =	stream.indirect_vreg.gather [hbm4b:s8+s3], $0x80, v4, vm1, $0xb8;
	[tilespmem:$0x1DC00] =	vst v63  }
0x399: {  	s29 =	sadd.s32 $0x1, s29;
	s31 =	simm.s32 $0x1A400;
	s0 =	sadd.s32 $0x150, s0  }
0x39a: {  	[tilespmem:s31], [sflag:$0xB] =	stream.indirect.gather [hbm4b:s5+s14], $0x80, s0, s14, $0xb8;
	[tilespmem:$0x1DC00] =	vst v63  }
.LBB2_17:
0x39b: {  	_ =	sfence.sel $0x180000  }
0x39c: {  	[bflag:$0x0] =	sbarrier.arrive $0xFFFF  }
0x39d: {  	_ =	strace $0x90000047  }
0x39e: {  	s0 =	stileid.u32;
	[bflag:$0x2] =	sbarrier.arrive $0xFFFF  }
0x39f: {  	p0 =	sne.s32 s0, $0x0;
	s0 =	rddreg [dreg:$0x2]  }
0x3a0: {  	s0 =	sadd.s32 @!p0 $0x100000, s0  }
0x3a1: {  	[sflag:s0] =	ssyncadd.tile.s32 @!p0 $0x1;
	_ =	shalt  }
.Lfunc_end2:
_tile_overlayer_lowered:
.L_overlay_start_2:
0x3a2: {  	(tag) =	ssettag $0x2  }
0x3a3: {  	s0 =	rddreg [dreg:$0x0];
	s2 =	stileid.u32  }
0x3a4: {  	s1 =	rddreg [dreg:$0x1];
	p0 =	sne.s32 s2, $0x0  }
0x3a5: {  	s3 =	rddreg [dreg:$0x2];
	[bflag:$0x3] =	sbarrier.arrive $0xFFFF;
	s2 =	simm.s32 @!p0 $0x1C11  }
0x3a6: {  	[timem:s3], [sflag:s2] =	dma.local @!p0 [hbm:s0], s1  }
0x3a7: {  	s0 =	simm.s32 @!p0 $0x11  }
0x3a8: {  	_ =	swait.ge @!p0 [sflag:s0], s1  }
0x3a9: {  	s1 =	ssub.s32 @!p0 $0x0, s1;
	[sflag:s0] =	ssyncset.done @!p0 $0x0  }
0x3aa: {  	[sflag:s0] =	ssyncadd.s32 @!p0 s1  }
0x3ab: {  	[bflag:$0x3] =	sbarrier.arrive $0xFFFF  }
0x3ac: {  	_ =	shalt  }

</sc_bundles>
